<compile_context>
chip_gen: v7x
topology: tpu7x:2x2x1
jax: 0.10.2.dev20260603
libtpu: 0.0.44.dev20260713+nightly
codegen_flags: <defaults>
</compile_context>

<pallas_src>
import jax
import jax.numpy as jnp
from jax import lax
from jax.experimental import pallas as pl
from jax.experimental.pallas import tpu as pltpu
from jax.experimental.pallas import tpu_sc as plsc

N_NODES = 100000
DIM_IN = 128
CONV_DIM = 32
KSIZE = 5
K = 30
DIM_OUT = 256
B = 256

NC = 2
NS = 16
NW = NC * NS
SEGS_PER_W = B // NW
KP = 32
CH = 2048
KBUF = 100352
KEYS_PAD = 102400
NEG = float("-inf")
BIGI = 0x3FFFFFFF


def _sort_asc(v):
    return lax.sort(v, dimension=0)


def _bcast_lane(vec, lane, zero):
    s = jnp.sum(jnp.where(lax.iota(jnp.int32, 16) == lane, vec, zero))
    return jnp.full((16,), s, vec.dtype)


def _sc_body(x_hbm, keys_hbm, starts_hbm, out_hbm,
             kbuf, starts_v, selk, seli, oidx, rows, sem):
    wid = lax.axis_index("s") * NC + lax.axis_index("c")
    b0 = wid * SEGS_PER_W
    pltpu.sync_copy(starts_hbm, starts_v)
    sv = starts_v[pl.ds(b0, 16)]
    s_all = sv[0]
    e_all = sv[SEGS_PER_W]
    a0 = pl.multiple_of((s_all // 8) * 8, 8)
    span = e_all - a0
    ntrips = lax.div(span + (CH - 1), CH)

    def stage(t, _):
        pltpu.sync_copy(keys_hbm.at[pl.ds(pl.multiple_of(a0 + t * CH, 8), CH)],
                        kbuf.at[pl.ds(t * CH, CH)])
        return 0

    lax.fori_loop(0, ntrips, stage, 0)

    iota16 = lax.iota(jnp.int32, 16)
    zf = jnp.zeros((16,), jnp.float32)
    zi = jnp.zeros((16,), jnp.int32)

    def select_seg(j):
        ls = jnp.sum(jnp.where(iota16 == j, sv, 0)) - a0
        le = jnp.sum(jnp.where(iota16 == j + 1, sv, 0)) - a0
        c0 = (ls // 16) * 16
        trips = lax.div(le - c0 + 15, 16)

        def p1(t, carry):
            bhi, blo, bmin = carry
            off = c0 + t * 16
            k = kbuf[pl.ds(off, 16)]
            gi = off + iota16
            km = jnp.where((gi >= ls) & (gi < le), k, NEG)

            def do_merge(args):
                bhi, blo, km = args
                cs = _sort_asc(km)
                mh = _sort_asc(jnp.maximum(blo, jnp.flip(cs)))
                rmh = jnp.flip(mh)
                nhi = _sort_asc(jnp.maximum(bhi, rmh))
                nlo = _sort_asc(jnp.minimum(bhi, rmh))
                return nhi, nlo, _bcast_lane(nlo, 0, zf)

            return lax.cond(jnp.all(km <= bmin), lambda a: (a[0], a[1], bmin),
                            do_merge, (bhi, blo, km))

        ninf16 = jnp.full((16,), NEG, jnp.float32)
        bhi, blo, _ = lax.fori_loop(0, trips, p1, (ninf16, ninf16, ninf16))
        tvec = _bcast_lane(blo, 2, zf)
        c_gt = (plsc.all_reduce_population_count(bhi > tvec)
                + plsc.all_reduce_population_count(blo > tvec))
        quota = K - c_gt

        selk[pl.ds(0, 16)] = ninf16
        selk[pl.ds(16, 16)] = ninf16
        seli[pl.ds(0, 16)] = BIGI + iota16
        seli[pl.ds(16, 16)] = BIGI + 16 + iota16

        def p2(t, carry):
            re, off_v = carry
            off = c0 + t * 16
            k = kbuf[pl.ds(off, 16)]
            gi = off + iota16
            valid = (gi >= ls) & (gi < le)
            km = jnp.where(valid, k, NEG)

            def do_sel(args):
                re, off_v, k, km, gi, valid = args
                gt = km > tvec
                eq = valid & (km == tvec)
                eqp = plsc.cumsum(eq.astype(jnp.int32))
                keep = gt | (eq & ((re + eqp) <= quota))
                pos = off_v + plsc.cumsum(keep.astype(jnp.int32)) - 1
                plsc.store_scatter(selk, [pos], k, mask=keep)
                plsc.store_scatter(seli, [pos], gi + a0, mask=keep)
                return (re + plsc.all_reduce_population_count(eq),
                        off_v + plsc.all_reduce_population_count(keep))

            return lax.cond(jnp.all(km < tvec), lambda a: (a[0], a[1]),
                            do_sel, (re, off_v, k, km, gi, valid))

        _, off_v = lax.fori_loop(0, trips, p2, (zi, zi))
        m = jnp.max(off_v)

        skh = selk[pl.ds(0, 16)]
        skl = selk[pl.ds(16, 16)]
        sih = seli[pl.ds(0, 16)]
        sil = seli[pl.ds(16, 16)]
        rh = zi
        rl = zi
        for jj in range(2 * 16):
            src_k = skh if jj < 16 else skl
            src_i = sih if jj < 16 else sil
            bk = jnp.full((16,), src_k[jj % 16], jnp.float32)
            bi = jnp.full((16,), src_i[jj % 16], jnp.int32)
            rh += ((bk > skh) | ((bk == skh) & (bi < sih))).astype(jnp.int32)
            rl += ((bk > skl) | ((bk == skl) & (bi < sil))).astype(jnp.int32)
        oidx[pl.ds(0, 16)] = zi
        oidx[pl.ds(16, 16)] = zi
        plsc.store_scatter(oidx, [rh], sih, mask=iota16 < off_v)
        plsc.store_scatter(oidx, [rl], sil, mask=(16 + iota16) < off_v)
        return m

    def seg_body(j, _):
        m = select_seg(j)
        pltpu.async_copy(x_hbm.at[oidx], rows, sem).wait()

        def zrow(r, _):
            for c in range(DIM_IN // 16):
                rows[r, pl.ds(c * 16, 16)] = zf
            return 0

        lax.fori_loop(m, K, zrow, 0)
        pltpu.sync_copy(rows, out_hbm.at[pl.ds((b0 + j) * KP, KP)])
        return 0

    lax.fori_loop(0, SEGS_PER_W, seg_body, 0)


@jax.jit
def _sc_select_gather(x, keys_pad, starts_pad):
    mesh = plsc.VectorSubcoreMesh(core_axis_name="c", subcore_axis_name="s",
                                  num_cores=NC, num_subcores=NS)
    f = pl.kernel(
        _sc_body,
        out_type=jax.ShapeDtypeStruct((B * KP, DIM_IN), jnp.float32),
        mesh=mesh,
        compiler_params=pltpu.CompilerParams(needs_layout_passes=False),
        scratch_types=[
            pltpu.VMEM((KBUF,), jnp.float32),
            pltpu.VMEM((264,), jnp.int32),
            pltpu.VMEM((2 * 16,), jnp.float32),
            pltpu.VMEM((2 * 16,), jnp.int32),
            pltpu.VMEM((2 * 16,), jnp.int32),
            pltpu.VMEM((KP, DIM_IN), jnp.float32),
            pltpu.SemaphoreType.DMA,
        ],
    )
    return f(x, keys_pad, starts_pad)


def _tc_body(dense_ref, w2_ref, bconv_ref, wlinr_ref, blin_ref, out_ref):
    npos = K - KSIZE + 1
    acc = jnp.zeros((B, DIM_OUT), jnp.float32)
    for p in range(npos):
        patch = dense_ref[:, p * DIM_IN:(p + KSIZE) * DIM_IN]
        c = jnp.dot(patch, w2_ref[...], preferred_element_type=jnp.float32)
        c = jnp.maximum(c + bconv_ref[...], 0.0)
        acc += jnp.dot(c, wlinr_ref[p], preferred_element_type=jnp.float32)
    out_ref[...] = jnp.maximum(acc + blin_ref[...], 0.0)


@jax.jit
def _tc_conv_lin(dense2, w2, bconv2, wlinr, blin2):
    return pl.pallas_call(
        _tc_body,
        out_shape=jax.ShapeDtypeStruct((B, DIM_OUT), jnp.float32),
    )(dense2, w2, bconv2, wlinr, blin2)


def kernel(x, batch, Wconv, bconv, Wlin, blin):
    keys = x[:, DIM_IN - 1]
    keys_pad = jnp.zeros((KEYS_PAD,), jnp.float32).at[:N_NODES].set(keys)
    starts = jnp.searchsorted(
        batch.astype(jnp.int32), jnp.arange(B + 1, dtype=jnp.int32)
    ).astype(jnp.int32)
    starts_pad = jnp.zeros((264,), jnp.int32).at[:B + 1].set(starts)

    dense = _sc_select_gather(x, keys_pad, starts_pad)
    dense2 = dense.reshape(B, KP * DIM_IN)

    npos = K - KSIZE + 1
    w2 = jnp.transpose(Wconv, (2, 1, 0)).reshape(KSIZE * DIM_IN, CONV_DIM)
    wlinr = jnp.transpose(Wlin.reshape(DIM_OUT, CONV_DIM, npos), (2, 1, 0))
    return _tc_conv_lin(dense2, w2, bconv[None, :], wlinr, blin[None, :])

# --- scband reference (transcript-rebuilt; emitter-appended) ---
"""Pipeline reference for scband-sort-pool-1967095021852 (READ-ONLY COPY).

The authoritative reference and input builder live on the scoring server;
editing this copy changes nothing except your own understanding.
"""

import jax, jax.numpy as jnp
import numpy as np

N_NODES = 100000
DIM_IN = 128
CONV_DIM = 32
KSIZE = 5
K = 30
DIM_OUT = 256
B = 256


def setup_inputs(seed: int = 0) -> dict:
    key = jax.random.key(seed)
    k1, k2, k3, k4 = jax.random.split(key, 4)
    x = jax.random.normal(k1, (N_NODES, DIM_IN), dtype=jnp.float32)
    batch = jnp.sort(jax.random.randint(k2, (N_NODES,), 0, B, dtype=jnp.int64))
    Wconv = jax.random.normal(k3, (CONV_DIM, DIM_IN, KSIZE), dtype=jnp.float32) * 0.05
    bconv = jnp.zeros((CONV_DIM,), dtype=jnp.float32)
    lin_in = CONV_DIM * (K - KSIZE + 1)
    Wlin = jax.random.normal(k4, (DIM_OUT, lin_in), dtype=jnp.float32) * 0.05
    blin = jnp.zeros((DIM_OUT,), dtype=jnp.float32)
    return {"x": x, "batch": batch, "Wconv": Wconv, "bconv": bconv, "Wlin": Wlin, "blin": blin}


def reference(x, batch, Wconv, bconv, Wlin, blin):
    Ntot, D = x.shape
    counts = jnp.bincount(batch, length=B)
    starts = jnp.concatenate([jnp.zeros((1,), counts.dtype), jnp.cumsum(counts)[:-1]])
    # global_sort_pool: to_dense_batch with fill_value = x.min() - 1
    fill = jax.lax.stop_gradient(jnp.min(x)) - 1.0
    # sort nodes within each graph by last feature channel, descending;
    # fill rows always sort strictly after real rows (fill < min(x)), so the
    # dense truncate-to-K / pad-to-K result equals a fixed-shape top-K scatter.
    idx = jnp.lexsort((-x[:, -1], batch))
    rank = jnp.arange(Ntot) - starts[batch]
    dense = jnp.zeros((B, K, D), dtype=x.dtype).at[batch, rank].set(x[idx], mode='drop')
    dense = jnp.where(dense == fill, 0.0, dense)
    gf = dense.reshape(B, K * D)
    # view(B, K, -1).permute(0, 2, 1) -> [B, D, K]
    feat = gf.reshape(B, K, D).transpose(0, 2, 1)
    conv = jax.lax.conv_general_dilated(
        feat, Wconv, window_strides=(1,), padding='VALID',
        dimension_numbers=('NCH', 'OIH', 'NCH'))
    conv = conv + bconv[None, :, None]
    conv = jax.nn.relu(conv)
    flat = conv.reshape(B, -1)
    out = jax.nn.relu(flat @ Wlin.T + blin)
    return out

if __name__ == "__main__":
    import jax
    _d = setup_inputs()
    print(jax.jit(kernel)(*tuple(_d.values())))

</pallas_src>

<mosaic_0001>
#map = affine_map<(d0, d1) -> (0, 0)>
#map1 = affine_map<(d0, d1) -> (0)>
module attributes {stable_mosaic.version = 14 : i64} {
  func.func @_sc_body(%arg0: i32, %arg1: i32, %arg2: memref<100000x128xf32, #tpu.memory_space<hbm>>, %arg3: memref<102400xf32, #tpu.memory_space<hbm>>, %arg4: memref<264xi32, #tpu.memory_space<hbm>>, %arg5: memref<8192x128xf32, #tpu.memory_space<hbm>>, %arg6: memref<100352xf32, #tpu.memory_space<vmem>>, %arg7: memref<264xi32, #tpu.memory_space<vmem>>, %arg8: memref<32xf32, #tpu.memory_space<vmem>>, %arg9: memref<32xi32, #tpu.memory_space<vmem>>, %arg10: memref<32xi32, #tpu.memory_space<vmem>>, %arg11: memref<32x128xf32, #tpu.memory_space<vmem>>, %arg12: memref<!tpu.dma_semaphore, #tpu.memory_space<semaphore_mem>>) attributes {dimension_semantics = [#tpu.dimension_semantics<core_parallel>, #tpu.dimension_semantics<subcore_parallel>], iteration_bounds = array<i64: 2, 16>, scalar_prefetch = 0 : i64, scratch_operands = 7 : i64, tpu.core_type = #tpu.core_type<sc_vector_subcore>, window_params = [{transform_indices = #map}, {transform_indices = #map1}, {transform_indices = #map1}, {transform_indices = #map}]} {
    %mul3A = arith.constant 2 : i32
    %mul3A_0 = arith.muli %arg1, %mul3A : i32
    %add3A = arith.addi %mul3A_0, %arg0 : i32
    %mul3A_1 = arith.constant 8 : i32
    %mul3A_2 = arith.muli %add3A, %mul3A_1 : i32
    "tpu.region"() ({
      %run_scoped3A = tpu.sem_alloc : memref<!tpu.dma_semaphore, #tpu.memory_space<semaphore_mem>>
      tpu.enqueue_dma source(%arg4 : memref<264xi32, #tpu.memory_space<hbm>>) target(%arg7 : memref<264xi32, #tpu.memory_space<vmem>>) target_semaphore(%run_scoped3A : memref<!tpu.dma_semaphore, #tpu.memory_space<semaphore_mem>>)
      tpu.wait_dma2 semaphore(%run_scoped3A : memref<!tpu.dma_semaphore, #tpu.memory_space<semaphore_mem>>) src(%arg4 : memref<264xi32, #tpu.memory_space<hbm>>) dst(%arg7 : memref<264xi32, #tpu.memory_space<vmem>>)
      tpu.yield
    }) : () -> ()
    %get3A = arith.index_cast %mul3A_2 : i32 to index
    %get3A_3 = tpu.vector_load %arg7[%get3A] {strides = array<i32>} : memref<264xi32, #tpu.memory_space<vmem>>, vector<16xi32>,
    %slice3A = vector.extract_strided_slice %get3A_3 {offsets = [0], sizes = [1], strides = [1]} : vector<16xi32> to vector<1xi32>
    %squeeze3A = vector.extract %slice3A[0] : i32 from vector<1xi32>
    %slice3A_4 = vector.extract_strided_slice %get3A_3 {offsets = [8], sizes = [1], strides = [1]} : vector<16xi32> to vector<1xi32>
    %squeeze3A_5 = vector.extract %slice3A_4[0] : i32 from vector<1xi32>
    %jit3A = arith.constant 8 : i32
    %div3A = arith.divsi %squeeze3A, %jit3A : i32
    %sign3A = arith.constant 0 : i32
    %sign3A_6 = arith.cmpi sgt, %squeeze3A, %sign3A : i32
    %sign3A_7 = arith.extui %sign3A_6 : i1 to i32
    %sign3A_8 = arith.constant 0 : i32
    %sign3A_9 = arith.cmpi slt, %squeeze3A, %sign3A_8 : i32
    %sign3A_10 = arith.extui %sign3A_9 : i1 to i32
    %sign3A_11 = arith.subi %sign3A_7, %sign3A_10 : i32
    %sign3A_12 = arith.constant 0 : i32
    %sign3A_13 = arith.cmpi sgt, %jit3A, %sign3A_12 : i32
    %sign3A_14 = arith.extui %sign3A_13 : i1 to i32
    %sign3A_15 = arith.constant 0 : i32
    %sign3A_16 = arith.cmpi slt, %jit3A, %sign3A_15 : i32
    %sign3A_17 = arith.extui %sign3A_16 : i1 to i32
    %sign3A_18 = arith.subi %sign3A_14, %sign3A_17 : i32
    %ne3A = arith.cmpi ne, %sign3A_11, %sign3A_18 : i32
    %rem3A = arith.remsi %squeeze3A, %jit3A : i32
    %ne3A_19 = arith.constant 0 : i32
    %ne3A_20 = arith.cmpi ne, %rem3A, %ne3A_19 : i32
    %and3A = arith.andi %ne3A, %ne3A_20 : i1
    %sub3A = arith.constant 1 : i32
    %sub3A_21 = arith.subi %div3A, %sub3A : i32
    %select_n3A = arith.select %and3A, %sub3A_21, %div3A : i32
    %mul3A_22 = arith.constant 8 : i32
    %mul3A_23 = arith.muli %select_n3A, %mul3A_22 : i32
    %multiple_of3A = tpu.assume_multiple %mul3A_23, 8 : i32
    %sub3A_24 = arith.subi %squeeze3A_5, %multiple_of3A : i32
    %add3A_25 = arith.constant 2047 : i32
    %add3A_26 = arith.addi %sub3A_24, %add3A_25 : i32
    %div3A_27 = arith.constant 2048 : i32
    %div3A_28 = arith.divsi %add3A_26, %div3A_27 : i32
    %while3A = arith.constant 0 : i32
    %while3A_29 = arith.constant 0 : i32
    %while3A_30 = arith.subi %div3A_28, %while3A : i32
    %while3A_31 = arith.addi %while3A, %while3A_30 : i32
    %while3A_32 = arith.constant 1 : i32
    %while3A_33 = arith.divsi %while3A_30, %while3A_32 : i32
    %while3A_34 = arith.muli %while3A_33, %while3A_32 : i32
    %while3A_35 = arith.addi %while3A, %while3A_34 : i32
    %while3A_36 = arith.constant 1 : i32
    %while3A_37 = scf.for %while3A_49 = %while3A to %while3A_35 step %while3A_36 iter_args(%while3A_50 = %while3A_29) -> (i32)  : i32 {
      %mul3A_51 = arith.constant 2048 : i32
      %mul3A_52 = arith.muli %while3A_49, %mul3A_51 : i32
      %add3A_53 = arith.addi %multiple_of3A, %mul3A_52 : i32
      %multiple_of3A_54 = tpu.assume_multiple %add3A_53, 8 : i32
      %mul3A_55 = arith.constant 2048 : i32
      %mul3A_56 = arith.muli %while3A_49, %mul3A_55 : i32
      "tpu.region"() ({
        %run_scoped3A = tpu.sem_alloc : memref<!tpu.dma_semaphore, #tpu.memory_space<semaphore_mem>>
        %dma_start3A = tpu.memref_slice %arg6[%mul3A_56] : memref<100352xf32, #tpu.memory_space<vmem>> -> memref<2048xf32, #tpu.memory_space<vmem>>
        %dma_start3A_58 = tpu.memref_slice %arg3[%multiple_of3A_54] : memref<102400xf32, #tpu.memory_space<hbm>> -> memref<2048xf32, #tpu.memory_space<hbm>>
        %dma_start3A_59 = tpu.memref_slice %arg6[%mul3A_56] : memref<100352xf32, #tpu.memory_space<vmem>> -> memref<2048xf32, #tpu.memory_space<vmem>>
        %dma_start3A_60 = tpu.memref_slice %arg3[%multiple_of3A_54] : memref<102400xf32, #tpu.memory_space<hbm>> -> memref<2048xf32, #tpu.memory_space<hbm>>
        tpu.enqueue_dma source(%dma_start3A_60 : memref<2048xf32, #tpu.memory_space<hbm>>) target(%dma_start3A_59 : memref<2048xf32, #tpu.memory_space<vmem>>) target_semaphore(%run_scoped3A : memref<!tpu.dma_semaphore, #tpu.memory_space<semaphore_mem>>)
        %dma_wait3A = tpu.memref_slice %arg6[%mul3A_56] : memref<100352xf32, #tpu.memory_space<vmem>> -> memref<2048xf32, #tpu.memory_space<vmem>>
        %dma_wait3A_61 = tpu.memref_slice %arg3[%multiple_of3A_54] : memref<102400xf32, #tpu.memory_space<hbm>> -> memref<2048xf32, #tpu.memory_space<hbm>>
        %dma_wait3A_62 = tpu.memref_slice %arg6[%mul3A_56] : memref<100352xf32, #tpu.memory_space<vmem>> -> memref<2048xf32, #tpu.memory_space<vmem>>
        %dma_wait3A_63 = tpu.memref_slice %arg3[%multiple_of3A_54] : memref<102400xf32, #tpu.memory_space<hbm>> -> memref<2048xf32, #tpu.memory_space<hbm>>
        tpu.wait_dma2 semaphore(%run_scoped3A : memref<!tpu.dma_semaphore, #tpu.memory_space<semaphore_mem>>) src(%dma_wait3A_63 : memref<2048xf32, #tpu.memory_space<hbm>>) dst(%dma_wait3A_62 : memref<2048xf32, #tpu.memory_space<vmem>>)
        tpu.yield
      }) : () -> ()
      %while3A_57 = arith.constant 0 : i32
      scf.yield %while3A_57 : i32
    }
    %while3A_38 = arith.constant 1 : i32
    %while3A_39 = scf.for %while3A_49 = %while3A_35 to %while3A_31 step %while3A_38 iter_args(%while3A_50 = %while3A_37) -> (i32)  : i32 {
      %mul3A_51 = arith.constant 2048 : i32
      %mul3A_52 = arith.muli %while3A_49, %mul3A_51 : i32
      %add3A_53 = arith.addi %multiple_of3A, %mul3A_52 : i32
      %multiple_of3A_54 = tpu.assume_multiple %add3A_53, 8 : i32
      %mul3A_55 = arith.constant 2048 : i32
      %mul3A_56 = arith.muli %while3A_49, %mul3A_55 : i32
      "tpu.region"() ({
        %run_scoped3A = tpu.sem_alloc : memref<!tpu.dma_semaphore, #tpu.memory_space<semaphore_mem>>
        %dma_start3A = tpu.memref_slice %arg6[%mul3A_56] : memref<100352xf32, #tpu.memory_space<vmem>> -> memref<2048xf32, #tpu.memory_space<vmem>>
        %dma_start3A_58 = tpu.memref_slice %arg3[%multiple_of3A_54] : memref<102400xf32, #tpu.memory_space<hbm>> -> memref<2048xf32, #tpu.memory_space<hbm>>
        %dma_start3A_59 = tpu.memref_slice %arg6[%mul3A_56] : memref<100352xf32, #tpu.memory_space<vmem>> -> memref<2048xf32, #tpu.memory_space<vmem>>
        %dma_start3A_60 = tpu.memref_slice %arg3[%multiple_of3A_54] : memref<102400xf32, #tpu.memory_space<hbm>> -> memref<2048xf32, #tpu.memory_space<hbm>>
        tpu.enqueue_dma source(%dma_start3A_60 : memref<2048xf32, #tpu.memory_space<hbm>>) target(%dma_start3A_59 : memref<2048xf32, #tpu.memory_space<vmem>>) target_semaphore(%run_scoped3A : memref<!tpu.dma_semaphore, #tpu.memory_space<semaphore_mem>>)
        %dma_wait3A = tpu.memref_slice %arg6[%mul3A_56] : memref<100352xf32, #tpu.memory_space<vmem>> -> memref<2048xf32, #tpu.memory_space<vmem>>
        %dma_wait3A_61 = tpu.memref_slice %arg3[%multiple_of3A_54] : memref<102400xf32, #tpu.memory_space<hbm>> -> memref<2048xf32, #tpu.memory_space<hbm>>
        %dma_wait3A_62 = tpu.memref_slice %arg6[%mul3A_56] : memref<100352xf32, #tpu.memory_space<vmem>> -> memref<2048xf32, #tpu.memory_space<vmem>>
        %dma_wait3A_63 = tpu.memref_slice %arg3[%multiple_of3A_54] : memref<102400xf32, #tpu.memory_space<hbm>> -> memref<2048xf32, #tpu.memory_space<hbm>>
        tpu.wait_dma2 semaphore(%run_scoped3A : memref<!tpu.dma_semaphore, #tpu.memory_space<semaphore_mem>>) src(%dma_wait3A_63 : memref<2048xf32, #tpu.memory_space<hbm>>) dst(%dma_wait3A_62 : memref<2048xf32, #tpu.memory_space<vmem>>)
        tpu.yield
      }) : () -> ()
      %while3A_57 = arith.constant 0 : i32
      scf.yield %while3A_57 : i32
    }
    %iota3A = tpu.iota {dimensions = array<i32: 0>} : vector<16xi32>
    %broadcast_in_dim3A = arith.constant 0.000000e+00 : f32
    %broadcast_in_dim3A_40 = vector.broadcast %broadcast_in_dim3A : f32 to vector<16xf32>
    %broadcast_in_dim3A_41 = arith.constant 0 : i32
    %broadcast_in_dim3A_42 = vector.broadcast %broadcast_in_dim3A_41 : i32 to vector<16xi32>
    %scan3A = arith.constant 0 : i32
    %scan3A_43 = arith.constant 0 : i32
    %scan3A_44 = arith.constant 8 : i32
    %scan3A_45 = arith.addi %scan3A_43, %scan3A_44 : i32
    %scan3A_46 = arith.constant 1 : i32
    %scan3A_47 = scf.for %scan3A_49 = %scan3A_43 to %scan3A_45 step %scan3A_46 iter_args(%scan3A_50 = %scan3A) -> (i32)  : i32 {
      %eq3A = vector.broadcast %scan3A_49 : i32 to vector<16xi32>
      %eq3A_51 = arith.cmpi eq, %iota3A, %eq3A : vector<16xi32>
      %jit3A_52 = arith.constant 0 : i32
      %broadcast_in_dim3A_53 = vector.broadcast %jit3A_52 : i32 to vector<16xi32>
      %select_n3A_54 = arith.select %eq3A_51, %get3A_3, %broadcast_in_dim3A_53 : vector<16xi1>, vector<16xi32>
      %reduce_sum3A = arith.constant true
      %reduce_sum3A_55 = vector.broadcast %reduce_sum3A : i1 to vector<16xi1>
      %reduce_sum3A_56 = tpu.scan <sum>, %select_n3A_54 masked %reduce_sum3A_55 : vector<16xi32>, vector<16xi1> -> vector<16xi32>
      %reduce_sum3A_57 = vector.extract %reduce_sum3A_56[15] : i32 from vector<16xi32>
      %sub3A_58 = arith.subi %reduce_sum3A_57, %multiple_of3A : i32
      %add3A_59 = arith.constant 1 : i32
      %add3A_60 = arith.addi %scan3A_49, %add3A_59 : i32
      %eq3A_61 = vector.broadcast %add3A_60 : i32 to vector<16xi32>
      %eq3A_62 = arith.cmpi eq, %iota3A, %eq3A_61 : vector<16xi32>
      %jit3A_63 = arith.constant 0 : i32
      %broadcast_in_dim3A_64 = vector.broadcast %jit3A_63 : i32 to vector<16xi32>
      %select_n3A_65 = arith.select %eq3A_62, %get3A_3, %broadcast_in_dim3A_64 : vector<16xi1>, vector<16xi32>
      %reduce_sum3A_66 = arith.constant true
      %reduce_sum3A_67 = vector.broadcast %reduce_sum3A_66 : i1 to vector<16xi1>
      %reduce_sum3A_68 = tpu.scan <sum>, %select_n3A_65 masked %reduce_sum3A_67 : vector<16xi32>, vector<16xi1> -> vector<16xi32>
      %reduce_sum3A_69 = vector.extract %reduce_sum3A_68[15] : i32 from vector<16xi32>
      %sub3A_70 = arith.subi %reduce_sum3A_69, %multiple_of3A : i32
      %jit3A_71 = arith.constant 16 : i32
      %div3A_72 = arith.divsi %sub3A_58, %jit3A_71 : i32
      %sign3A_73 = arith.constant 0 : i32
      %sign3A_74 = arith.cmpi sgt, %sub3A_58, %sign3A_73 : i32
      %sign3A_75 = arith.extui %sign3A_74 : i1 to i32
      %sign3A_76 = arith.constant 0 : i32
      %sign3A_77 = arith.cmpi slt, %sub3A_58, %sign3A_76 : i32
      %sign3A_78 = arith.extui %sign3A_77 : i1 to i32
      %sign3A_79 = arith.subi %sign3A_75, %sign3A_78 : i32
      %sign3A_80 = arith.constant 0 : i32
      %sign3A_81 = arith.cmpi sgt, %jit3A_71, %sign3A_80 : i32
      %sign3A_82 = arith.extui %sign3A_81 : i1 to i32
      %sign3A_83 = arith.constant 0 : i32
      %sign3A_84 = arith.cmpi slt, %jit3A_71, %sign3A_83 : i32
      %sign3A_85 = arith.extui %sign3A_84 : i1 to i32
      %sign3A_86 = arith.subi %sign3A_82, %sign3A_85 : i32
      %ne3A_87 = arith.cmpi ne, %sign3A_79, %sign3A_86 : i32
      %rem3A_88 = arith.remsi %sub3A_58, %jit3A_71 : i32
      %ne3A_89 = arith.constant 0 : i32
      %ne3A_90 = arith.cmpi ne, %rem3A_88, %ne3A_89 : i32
      %and3A_91 = arith.andi %ne3A_87, %ne3A_90 : i1
      %sub3A_92 = arith.constant 1 : i32
      %sub3A_93 = arith.subi %div3A_72, %sub3A_92 : i32
      %select_n3A_94 = arith.select %and3A_91, %sub3A_93, %div3A_72 : i32
      %mul3A_95 = arith.constant 16 : i32
      %mul3A_96 = arith.muli %select_n3A_94, %mul3A_95 : i32
      %sub3A_97 = arith.subi %sub3A_70, %mul3A_96 : i32
      %add3A_98 = arith.constant 15 : i32
      %add3A_99 = arith.addi %sub3A_97, %add3A_98 : i32
      %div3A_100 = arith.constant 16 : i32
      %div3A_101 = arith.divsi %add3A_99, %div3A_100 : i32
      %broadcast_in_dim3A_102 = arith.constant 0xFF800000 : f32
      %broadcast_in_dim3A_103 = vector.broadcast %broadcast_in_dim3A_102 : f32 to vector<16xf32>
      %while3A_104 = arith.constant 0 : i32
      %while3A_105 = arith.subi %div3A_101, %while3A_104 : i32
      %while3A_106 = arith.addi %while3A_104, %while3A_105 : i32
      %while3A_107 = arith.constant 1 : i32
      %while3A_108 = arith.divsi %while3A_105, %while3A_107 : i32
      %while3A_109 = arith.muli %while3A_108, %while3A_107 : i32
      %while3A_110 = arith.addi %while3A_104, %while3A_109 : i32
      %while3A_111 = arith.constant 1 : i32
      %while3A_112:3 = scf.for %while3A_836 = %while3A_104 to %while3A_110 step %while3A_111 iter_args(%while3A_837 = %broadcast_in_dim3A_103, %while3A_838 = %broadcast_in_dim3A_103, %while3A_839 = %broadcast_in_dim3A_103) -> (vector<16xf32>, vector<16xf32>, vector<16xf32>)  : i32 {
        %mul3A_840 = arith.constant 16 : i32
        %mul3A_841 = arith.muli %while3A_836, %mul3A_840 : i32
        %add3A_842 = arith.addi %mul3A_96, %mul3A_841 : i32
        %get3A_843 = arith.index_cast %add3A_842 : i32 to index
        %get3A_844 = tpu.vector_load %arg6[%get3A_843] {strides = array<i32>} : memref<100352xf32, #tpu.memory_space<vmem>>, vector<16xf32>,
        %add3A_845 = vector.broadcast %add3A_842 : i32 to vector<16xi32>
        %add3A_846 = arith.addi %add3A_845, %iota3A : vector<16xi32>
        %ge3A = vector.broadcast %sub3A_58 : i32 to vector<16xi32>
        %ge3A_847 = arith.cmpi sge, %add3A_846, %ge3A : vector<16xi32>
        %lt3A_848 = vector.broadcast %sub3A_70 : i32 to vector<16xi32>
        %lt3A_849 = arith.cmpi slt, %add3A_846, %lt3A_848 : vector<16xi32>
        %and3A_850 = arith.andi %ge3A_847, %lt3A_849 : vector<16xi1>
        %jit3A_851 = arith.constant 0xFF800000 : f32
        %broadcast_in_dim3A_852 = vector.broadcast %jit3A_851 : f32 to vector<16xf32>
        %select_n3A_853 = arith.select %and3A_850, %get3A_844, %broadcast_in_dim3A_852 : vector<16xi1>, vector<16xf32>
        %le3A = arith.cmpf ole, %select_n3A_853, %while3A_839 : vector<16xf32>
        %reduce_and3A = arith.constant 1.000000e+00 : f32
        %reduce_and3A_854 = arith.constant 0.000000e+00 : f32
        %reduce_and3A_855 = vector.broadcast %reduce_and3A : f32 to vector<16xf32>
        %reduce_and3A_856 = vector.broadcast %reduce_and3A_854 : f32 to vector<16xf32>
        %reduce_and3A_857 = arith.select %le3A, %reduce_and3A_855, %reduce_and3A_856 : vector<16xi1>, vector<16xf32>
        %reduce_and3A_858 = arith.constant true
        %reduce_and3A_859 = vector.broadcast %reduce_and3A_858 : i1 to vector<16xi1>
        %reduce_and3A_860 = tpu.scan <min>, %reduce_and3A_857 masked %reduce_and3A_859 : vector<16xf32>, vector<16xi1> -> vector<16xf32>
        %reduce_and3A_861 = vector.extract %reduce_and3A_860[15] : f32 from vector<16xf32>
        %reduce_and3A_862 = arith.constant 0.000000e+00 : f32
        %reduce_and3A_863 = arith.cmpf ogt, %reduce_and3A_861, %reduce_and3A_862 : f32
        %convert_element_type3A_864 = arith.extui %reduce_and3A_863 : i1 to i32
        %cond3A = arith.constant 0 : i32
        %cond3A_865 = arith.cmpi ne, %convert_element_type3A_864, %cond3A : i32
        %cond3A_866:3 = scf.if %cond3A_865 -> (vector<16xf32>, vector<16xf32>, vector<16xf32>) {
          scf.yield %while3A_837, %while3A_838, %while3A_839 : vector<16xf32>, vector<16xf32>, vector<16xf32>
        } else {
          %sort3A = arith.constant dense<true> : vector<16xi1>
          %sort3A_867, %sort3A_868, %sort3A_869 = tpu.sort %select_n3A_853, %select_n3A_853 masked %sort3A : (vector<16xf32>, vector<16xf32>, vector<16xi1>) -> (vector<16xi1>, vector<16xf32>, vector<16xf32>)
          %rev3A = arith.constant 15 : i32
          %rev3A_870 = vector.broadcast %rev3A : i32 to vector<16xi32>
          %rev3A_871 = tpu.iota {dimensions = array<i32: 0>} : vector<16xi32>
          %rev3A_872 = arith.subi %rev3A_870, %rev3A_871 : vector<16xi32>
          %rev3A_873 = tpu.dynamic_gather %sort3A_868[%rev3A_872] in [0] : vector<16xf32>, vector<16xi32> -> vector<16xf32>
          %max3A = arith.maximumf %while3A_838, %rev3A_873 : vector<16xf32>
          %sort3A_874 = arith.constant dense<true> : vector<16xi1>
          %sort3A_875, %sort3A_876, %sort3A_877 = tpu.sort %max3A, %max3A masked %sort3A_874 : (vector<16xf32>, vector<16xf32>, vector<16xi1>) -> (vector<16xi1>, vector<16xf32>, vector<16xf32>)
          %rev3A_878 = arith.constant 15 : i32
          %rev3A_879 = vector.broadcast %rev3A_878 : i32 to vector<16xi32>
          %rev3A_880 = tpu.iota {dimensions = array<i32: 0>} : vector<16xi32>
          %rev3A_881 = arith.subi %rev3A_879, %rev3A_880 : vector<16xi32>
          %rev3A_882 = tpu.dynamic_gather %sort3A_876[%rev3A_881] in [0] : vector<16xf32>, vector<16xi32> -> vector<16xf32>
          %max3A_883 = arith.maximumf %while3A_837, %rev3A_882 : vector<16xf32>
          %sort3A_884 = arith.constant dense<true> : vector<16xi1>
          %sort3A_885, %sort3A_886, %sort3A_887 = tpu.sort %max3A_883, %max3A_883 masked %sort3A_884 : (vector<16xf32>, vector<16xf32>, vector<16xi1>) -> (vector<16xi1>, vector<16xf32>, vector<16xf32>)
          %min3A = arith.minimumf %while3A_837, %rev3A_882 : vector<16xf32>
          %sort3A_888 = arith.constant dense<true> : vector<16xi1>
          %sort3A_889, %sort3A_890, %sort3A_891 = tpu.sort %min3A, %min3A masked %sort3A_888 : (vector<16xf32>, vector<16xf32>, vector<16xi1>) -> (vector<16xi1>, vector<16xf32>, vector<16xf32>)
          %iota3A_892 = tpu.iota {dimensions = array<i32: 0>} : vector<16xi32>
          %eq3A_893 = arith.constant 0 : i32
          %eq3A_894 = vector.broadcast %eq3A_893 : i32 to vector<16xi32>
          %eq3A_895 = arith.cmpi eq, %iota3A_892, %eq3A_894 : vector<16xi32>
          %select_n3A_896 = arith.select %eq3A_895, %sort3A_890, %broadcast_in_dim3A_40 : vector<16xi1>, vector<16xf32>
          %reduce_sum3A_897 = arith.constant true
          %reduce_sum3A_898 = vector.broadcast %reduce_sum3A_897 : i1 to vector<16xi1>
          %reduce_sum3A_899 = tpu.scan <sum>, %select_n3A_896 masked %reduce_sum3A_898 : vector<16xf32>, vector<16xi1> -> vector<16xf32>
          %reduce_sum3A_900 = vector.extract %reduce_sum3A_899[15] : f32 from vector<16xf32>
          %broadcast_in_dim3A_901 = vector.broadcast %reduce_sum3A_900 : f32 to vector<16xf32>
          scf.yield %sort3A_886, %sort3A_890, %broadcast_in_dim3A_901 : vector<16xf32>, vector<16xf32>, vector<16xf32>
        }
        scf.yield %cond3A_866#0, %cond3A_866#1, %cond3A_866#2 : vector<16xf32>, vector<16xf32>, vector<16xf32>
      }
      %while3A_113 = arith.constant 1 : i32
      %while3A_114:3 = scf.for %while3A_836 = %while3A_110 to %while3A_106 step %while3A_113 iter_args(%while3A_837 = %while3A_112#0, %while3A_838 = %while3A_112#1, %while3A_839 = %while3A_112#2) -> (vector<16xf32>, vector<16xf32>, vector<16xf32>)  : i32 {
        %mul3A_840 = arith.constant 16 : i32
        %mul3A_841 = arith.muli %while3A_836, %mul3A_840 : i32
        %add3A_842 = arith.addi %mul3A_96, %mul3A_841 : i32
        %get3A_843 = arith.index_cast %add3A_842 : i32 to index
        %get3A_844 = tpu.vector_load %arg6[%get3A_843] {strides = array<i32>} : memref<100352xf32, #tpu.memory_space<vmem>>, vector<16xf32>,
        %add3A_845 = vector.broadcast %add3A_842 : i32 to vector<16xi32>
        %add3A_846 = arith.addi %add3A_845, %iota3A : vector<16xi32>
        %ge3A = vector.broadcast %sub3A_58 : i32 to vector<16xi32>
        %ge3A_847 = arith.cmpi sge, %add3A_846, %ge3A : vector<16xi32>
        %lt3A_848 = vector.broadcast %sub3A_70 : i32 to vector<16xi32>
        %lt3A_849 = arith.cmpi slt, %add3A_846, %lt3A_848 : vector<16xi32>
        %and3A_850 = arith.andi %ge3A_847, %lt3A_849 : vector<16xi1>
        %jit3A_851 = arith.constant 0xFF800000 : f32
        %broadcast_in_dim3A_852 = vector.broadcast %jit3A_851 : f32 to vector<16xf32>
        %select_n3A_853 = arith.select %and3A_850, %get3A_844, %broadcast_in_dim3A_852 : vector<16xi1>, vector<16xf32>
        %le3A = arith.cmpf ole, %select_n3A_853, %while3A_839 : vector<16xf32>
        %reduce_and3A = arith.constant 1.000000e+00 : f32
        %reduce_and3A_854 = arith.constant 0.000000e+00 : f32
        %reduce_and3A_855 = vector.broadcast %reduce_and3A : f32 to vector<16xf32>
        %reduce_and3A_856 = vector.broadcast %reduce_and3A_854 : f32 to vector<16xf32>
        %reduce_and3A_857 = arith.select %le3A, %reduce_and3A_855, %reduce_and3A_856 : vector<16xi1>, vector<16xf32>
        %reduce_and3A_858 = arith.constant true
        %reduce_and3A_859 = vector.broadcast %reduce_and3A_858 : i1 to vector<16xi1>
        %reduce_and3A_860 = tpu.scan <min>, %reduce_and3A_857 masked %reduce_and3A_859 : vector<16xf32>, vector<16xi1> -> vector<16xf32>
        %reduce_and3A_861 = vector.extract %reduce_and3A_860[15] : f32 from vector<16xf32>
        %reduce_and3A_862 = arith.constant 0.000000e+00 : f32
        %reduce_and3A_863 = arith.cmpf ogt, %reduce_and3A_861, %reduce_and3A_862 : f32
        %convert_element_type3A_864 = arith.extui %reduce_and3A_863 : i1 to i32
        %cond3A = arith.constant 0 : i32
        %cond3A_865 = arith.cmpi ne, %convert_element_type3A_864, %cond3A : i32
        %cond3A_866:3 = scf.if %cond3A_865 -> (vector<16xf32>, vector<16xf32>, vector<16xf32>) {
          scf.yield %while3A_837, %while3A_838, %while3A_839 : vector<16xf32>, vector<16xf32>, vector<16xf32>
        } else {
          %sort3A = arith.constant dense<true> : vector<16xi1>
          %sort3A_867, %sort3A_868, %sort3A_869 = tpu.sort %select_n3A_853, %select_n3A_853 masked %sort3A : (vector<16xf32>, vector<16xf32>, vector<16xi1>) -> (vector<16xi1>, vector<16xf32>, vector<16xf32>)
          %rev3A = arith.constant 15 : i32
          %rev3A_870 = vector.broadcast %rev3A : i32 to vector<16xi32>
          %rev3A_871 = tpu.iota {dimensions = array<i32: 0>} : vector<16xi32>
          %rev3A_872 = arith.subi %rev3A_870, %rev3A_871 : vector<16xi32>
          %rev3A_873 = tpu.dynamic_gather %sort3A_868[%rev3A_872] in [0] : vector<16xf32>, vector<16xi32> -> vector<16xf32>
          %max3A = arith.maximumf %while3A_838, %rev3A_873 : vector<16xf32>
          %sort3A_874 = arith.constant dense<true> : vector<16xi1>
          %sort3A_875, %sort3A_876, %sort3A_877 = tpu.sort %max3A, %max3A masked %sort3A_874 : (vector<16xf32>, vector<16xf32>, vector<16xi1>) -> (vector<16xi1>, vector<16xf32>, vector<16xf32>)
          %rev3A_878 = arith.constant 15 : i32
          %rev3A_879 = vector.broadcast %rev3A_878 : i32 to vector<16xi32>
          %rev3A_880 = tpu.iota {dimensions = array<i32: 0>} : vector<16xi32>
          %rev3A_881 = arith.subi %rev3A_879, %rev3A_880 : vector<16xi32>
          %rev3A_882 = tpu.dynamic_gather %sort3A_876[%rev3A_881] in [0] : vector<16xf32>, vector<16xi32> -> vector<16xf32>
          %max3A_883 = arith.maximumf %while3A_837, %rev3A_882 : vector<16xf32>
          %sort3A_884 = arith.constant dense<true> : vector<16xi1>
          %sort3A_885, %sort3A_886, %sort3A_887 = tpu.sort %max3A_883, %max3A_883 masked %sort3A_884 : (vector<16xf32>, vector<16xf32>, vector<16xi1>) -> (vector<16xi1>, vector<16xf32>, vector<16xf32>)
          %min3A = arith.minimumf %while3A_837, %rev3A_882 : vector<16xf32>
          %sort3A_888 = arith.constant dense<true> : vector<16xi1>
          %sort3A_889, %sort3A_890, %sort3A_891 = tpu.sort %min3A, %min3A masked %sort3A_888 : (vector<16xf32>, vector<16xf32>, vector<16xi1>) -> (vector<16xi1>, vector<16xf32>, vector<16xf32>)
          %iota3A_892 = tpu.iota {dimensions = array<i32: 0>} : vector<16xi32>
          %eq3A_893 = arith.constant 0 : i32
          %eq3A_894 = vector.broadcast %eq3A_893 : i32 to vector<16xi32>
          %eq3A_895 = arith.cmpi eq, %iota3A_892, %eq3A_894 : vector<16xi32>
          %select_n3A_896 = arith.select %eq3A_895, %sort3A_890, %broadcast_in_dim3A_40 : vector<16xi1>, vector<16xf32>
          %reduce_sum3A_897 = arith.constant true
          %reduce_sum3A_898 = vector.broadcast %reduce_sum3A_897 : i1 to vector<16xi1>
          %reduce_sum3A_899 = tpu.scan <sum>, %select_n3A_896 masked %reduce_sum3A_898 : vector<16xf32>, vector<16xi1> -> vector<16xf32>
          %reduce_sum3A_900 = vector.extract %reduce_sum3A_899[15] : f32 from vector<16xf32>
          %broadcast_in_dim3A_901 = vector.broadcast %reduce_sum3A_900 : f32 to vector<16xf32>
          scf.yield %sort3A_886, %sort3A_890, %broadcast_in_dim3A_901 : vector<16xf32>, vector<16xf32>, vector<16xf32>
        }
        scf.yield %cond3A_866#0, %cond3A_866#1, %cond3A_866#2 : vector<16xf32>, vector<16xf32>, vector<16xf32>
      }
      %iota3A_115 = tpu.iota {dimensions = array<i32: 0>} : vector<16xi32>
      %eq3A_116 = arith.constant 2 : i32
      %eq3A_117 = vector.broadcast %eq3A_116 : i32 to vector<16xi32>
      %eq3A_118 = arith.cmpi eq, %iota3A_115, %eq3A_117 : vector<16xi32>
      %select_n3A_119 = arith.select %eq3A_118, %while3A_114#1, %broadcast_in_dim3A_40 : vector<16xi1>, vector<16xf32>
      %reduce_sum3A_120 = arith.constant true
      %reduce_sum3A_121 = vector.broadcast %reduce_sum3A_120 : i1 to vector<16xi1>
      %reduce_sum3A_122 = tpu.scan <sum>, %select_n3A_119 masked %reduce_sum3A_121 : vector<16xf32>, vector<16xi1> -> vector<16xf32>
      %reduce_sum3A_123 = vector.extract %reduce_sum3A_122[15] : f32 from vector<16xf32>
      %broadcast_in_dim3A_124 = vector.broadcast %reduce_sum3A_123 : f32 to vector<16xf32>
      %gt3A = arith.cmpf ogt, %while3A_114#0, %broadcast_in_dim3A_124 : vector<16xf32>
      %all_reduce_population_count3A = tpu.all_reduce %gt3A {dim = 0 : i64, kind = #tpu.reduction_kind<sum>} : vector<16xi1> -> vector<16xi32>
      %gt3A_125 = arith.cmpf ogt, %while3A_114#1, %broadcast_in_dim3A_124 : vector<16xf32>
      %all_reduce_population_count3A_126 = tpu.all_reduce %gt3A_125 {dim = 0 : i64, kind = #tpu.reduction_kind<sum>} : vector<16xi1> -> vector<16xi32>
      %add3A_127 = arith.addi %all_reduce_population_count3A, %all_reduce_population_count3A_126 : vector<16xi32>
      %sub3A_128 = arith.constant 30 : i32
      %sub3A_129 = vector.broadcast %sub3A_128 : i32 to vector<16xi32>
      %sub3A_130 = arith.subi %sub3A_129, %add3A_127 : vector<16xi32>
      %swap3A = arith.constant 0 : index
      %swap3A_131 = tpu.vector_load %arg8[%swap3A] {strides = array<i32>} : memref<32xf32, #tpu.memory_space<vmem>>, vector<16xf32>,
      tpu.vector_store %arg8[%swap3A], %broadcast_in_dim3A_103 {strides = array<i32>} : memref<32xf32, #tpu.memory_space<vmem>>, vector<16xf32>,
      %swap3A_132 = arith.constant 16 : index
      %swap3A_133 = tpu.vector_load %arg8[%swap3A_132] {strides = array<i32>} : memref<32xf32, #tpu.memory_space<vmem>>, vector<16xf32>,
      tpu.vector_store %arg8[%swap3A_132], %broadcast_in_dim3A_103 {strides = array<i32>} : memref<32xf32, #tpu.memory_space<vmem>>, vector<16xf32>,
      %add3A_134 = arith.constant 1073741823 : i32
      %add3A_135 = vector.broadcast %add3A_134 : i32 to vector<16xi32>
      %add3A_136 = arith.addi %add3A_135, %iota3A : vector<16xi32>
      %swap3A_137 = arith.constant 0 : index
      %swap3A_138 = tpu.vector_load %arg9[%swap3A_137] {strides = array<i32>} : memref<32xi32, #tpu.memory_space<vmem>>, vector<16xi32>,
      tpu.vector_store %arg9[%swap3A_137], %add3A_136 {strides = array<i32>} : memref<32xi32, #tpu.memory_space<vmem>>, vector<16xi32>,
      %add3A_139 = arith.constant 1073741839 : i32
      %add3A_140 = vector.broadcast %add3A_139 : i32 to vector<16xi32>
      %add3A_141 = arith.addi %add3A_140, %iota3A : vector<16xi32>
      %swap3A_142 = arith.constant 16 : index
      %swap3A_143 = tpu.vector_load %arg9[%swap3A_142] {strides = array<i32>} : memref<32xi32, #tpu.memory_space<vmem>>, vector<16xi32>,
      tpu.vector_store %arg9[%swap3A_142], %add3A_141 {strides = array<i32>} : memref<32xi32, #tpu.memory_space<vmem>>, vector<16xi32>,
      %while3A_144 = arith.constant 0 : i32
      %while3A_145 = arith.subi %div3A_101, %while3A_144 : i32
      %while3A_146 = arith.addi %while3A_144, %while3A_145 : i32
      %while3A_147 = arith.constant 1 : i32
      %while3A_148 = arith.divsi %while3A_145, %while3A_147 : i32
      %while3A_149 = arith.muli %while3A_148, %while3A_147 : i32
      %while3A_150 = arith.addi %while3A_144, %while3A_149 : i32
      %while3A_151 = arith.constant 1 : i32
      %while3A_152:2 = scf.for %while3A_836 = %while3A_144 to %while3A_150 step %while3A_151 iter_args(%while3A_837 = %broadcast_in_dim3A_42, %while3A_838 = %broadcast_in_dim3A_42) -> (vector<16xi32>, vector<16xi32>)  : i32 {
        %mul3A_839 = arith.constant 16 : i32
        %mul3A_840 = arith.muli %while3A_836, %mul3A_839 : i32
        %add3A_841 = arith.addi %mul3A_96, %mul3A_840 : i32
        %get3A_842 = arith.index_cast %add3A_841 : i32 to index
        %get3A_843 = tpu.vector_load %arg6[%get3A_842] {strides = array<i32>} : memref<100352xf32, #tpu.memory_space<vmem>>, vector<16xf32>,
        %add3A_844 = vector.broadcast %add3A_841 : i32 to vector<16xi32>
        %add3A_845 = arith.addi %add3A_844, %iota3A : vector<16xi32>
        %ge3A = vector.broadcast %sub3A_58 : i32 to vector<16xi32>
        %ge3A_846 = arith.cmpi sge, %add3A_845, %ge3A : vector<16xi32>
        %lt3A_847 = vector.broadcast %sub3A_70 : i32 to vector<16xi32>
        %lt3A_848 = arith.cmpi slt, %add3A_845, %lt3A_847 : vector<16xi32>
        %and3A_849 = arith.andi %ge3A_846, %lt3A_848 : vector<16xi1>
        %jit3A_850 = arith.constant 0xFF800000 : f32
        %broadcast_in_dim3A_851 = vector.broadcast %jit3A_850 : f32 to vector<16xf32>
        %select_n3A_852 = arith.select %and3A_849, %get3A_843, %broadcast_in_dim3A_851 : vector<16xi1>, vector<16xf32>
        %lt3A_853 = arith.cmpf olt, %select_n3A_852, %broadcast_in_dim3A_124 : vector<16xf32>
        %reduce_and3A = arith.constant 1.000000e+00 : f32
        %reduce_and3A_854 = arith.constant 0.000000e+00 : f32
        %reduce_and3A_855 = vector.broadcast %reduce_and3A : f32 to vector<16xf32>
        %reduce_and3A_856 = vector.broadcast %reduce_and3A_854 : f32 to vector<16xf32>
        %reduce_and3A_857 = arith.select %lt3A_853, %reduce_and3A_855, %reduce_and3A_856 : vector<16xi1>, vector<16xf32>
        %reduce_and3A_858 = arith.constant true
        %reduce_and3A_859 = vector.broadcast %reduce_and3A_858 : i1 to vector<16xi1>
        %reduce_and3A_860 = tpu.scan <min>, %reduce_and3A_857 masked %reduce_and3A_859 : vector<16xf32>, vector<16xi1> -> vector<16xf32>
        %reduce_and3A_861 = vector.extract %reduce_and3A_860[15] : f32 from vector<16xf32>
        %reduce_and3A_862 = arith.constant 0.000000e+00 : f32
        %reduce_and3A_863 = arith.cmpf ogt, %reduce_and3A_861, %reduce_and3A_862 : f32
        %convert_element_type3A_864 = arith.extui %reduce_and3A_863 : i1 to i32
        %cond3A = arith.constant 0 : i32
        %cond3A_865 = arith.cmpi ne, %convert_element_type3A_864, %cond3A : i32
        %cond3A_866:2 = scf.if %cond3A_865 -> (vector<16xi32>, vector<16xi32>) {
          scf.yield %while3A_837, %while3A_838 : vector<16xi32>, vector<16xi32>
        } else {
          %gt3A_867 = arith.cmpf ogt, %select_n3A_852, %broadcast_in_dim3A_124 : vector<16xf32>
          %eq3A_868 = arith.cmpf oeq, %select_n3A_852, %broadcast_in_dim3A_124 : vector<16xf32>
          %and3A_869 = arith.andi %and3A_849, %eq3A_868 : vector<16xi1>
          %convert_element_type3A_870 = arith.extui %and3A_869 : vector<16xi1> to vector<16xi32>
          %broadcast_in_dim3A_871 = arith.constant true
          %broadcast_in_dim3A_872 = vector.broadcast %broadcast_in_dim3A_871 : i1 to vector<16xi1>
          %masked_cumsum3A = tpu.scan <sum>, %convert_element_type3A_870 masked %broadcast_in_dim3A_872 : vector<16xi32>, vector<16xi1> -> vector<16xi32>
          %add3A_873 = arith.addi %while3A_837, %masked_cumsum3A : vector<16xi32>
          %le3A = arith.cmpi sle, %add3A_873, %sub3A_130 : vector<16xi32>
          %and3A_874 = arith.andi %and3A_869, %le3A : vector<16xi1>
          %or3A_875 = arith.ori %gt3A_867, %and3A_874 : vector<16xi1>
          %convert_element_type3A_876 = arith.extui %or3A_875 : vector<16xi1> to vector<16xi32>
          %broadcast_in_dim3A_877 = arith.constant true
          %broadcast_in_dim3A_878 = vector.broadcast %broadcast_in_dim3A_877 : i1 to vector<16xi1>
          %masked_cumsum3A_879 = tpu.scan <sum>, %convert_element_type3A_876 masked %broadcast_in_dim3A_878 : vector<16xi32>, vector<16xi1> -> vector<16xi32>
          %add3A_880 = arith.addi %while3A_838, %masked_cumsum3A_879 : vector<16xi32>
          %sub3A_881 = arith.constant 1 : i32
          %sub3A_882 = vector.broadcast %sub3A_881 : i32 to vector<16xi32>
          %sub3A_883 = arith.subi %add3A_880, %sub3A_882 : vector<16xi32>
          tpu.vector_store_idx %arg8[%sub3A_883], %get3A_843 masked %or3A_875 : memref<32xf32, #tpu.memory_space<vmem>>[vector<16xi32>], vector<16xf32>, vector<16xi1>
          %add3A_884 = vector.broadcast %multiple_of3A : i32 to vector<16xi32>
          %add3A_885 = arith.addi %add3A_845, %add3A_884 : vector<16xi32>
          tpu.vector_store_idx %arg9[%sub3A_883], %add3A_885 masked %or3A_875 : memref<32xi32, #tpu.memory_space<vmem>>[vector<16xi32>], vector<16xi32>, vector<16xi1>
          %all_reduce_population_count3A_886 = tpu.all_reduce %and3A_869 {dim = 0 : i64, kind = #tpu.reduction_kind<sum>} : vector<16xi1> -> vector<16xi32>
          %add3A_887 = arith.addi %while3A_837, %all_reduce_population_count3A_886 : vector<16xi32>
          %all_reduce_population_count3A_888 = tpu.all_reduce %or3A_875 {dim = 0 : i64, kind = #tpu.reduction_kind<sum>} : vector<16xi1> -> vector<16xi32>
          %add3A_889 = arith.addi %while3A_838, %all_reduce_population_count3A_888 : vector<16xi32>
          scf.yield %add3A_887, %add3A_889 : vector<16xi32>, vector<16xi32>
        }
        scf.yield %cond3A_866#0, %cond3A_866#1 : vector<16xi32>, vector<16xi32>
      }
      %while3A_153 = arith.constant 1 : i32
      %while3A_154:2 = scf.for %while3A_836 = %while3A_150 to %while3A_146 step %while3A_153 iter_args(%while3A_837 = %while3A_152#0, %while3A_838 = %while3A_152#1) -> (vector<16xi32>, vector<16xi32>)  : i32 {
        %mul3A_839 = arith.constant 16 : i32
        %mul3A_840 = arith.muli %while3A_836, %mul3A_839 : i32
        %add3A_841 = arith.addi %mul3A_96, %mul3A_840 : i32
        %get3A_842 = arith.index_cast %add3A_841 : i32 to index
        %get3A_843 = tpu.vector_load %arg6[%get3A_842] {strides = array<i32>} : memref<100352xf32, #tpu.memory_space<vmem>>, vector<16xf32>,
        %add3A_844 = vector.broadcast %add3A_841 : i32 to vector<16xi32>
        %add3A_845 = arith.addi %add3A_844, %iota3A : vector<16xi32>
        %ge3A = vector.broadcast %sub3A_58 : i32 to vector<16xi32>
        %ge3A_846 = arith.cmpi sge, %add3A_845, %ge3A : vector<16xi32>
        %lt3A_847 = vector.broadcast %sub3A_70 : i32 to vector<16xi32>
        %lt3A_848 = arith.cmpi slt, %add3A_845, %lt3A_847 : vector<16xi32>
        %and3A_849 = arith.andi %ge3A_846, %lt3A_848 : vector<16xi1>
        %jit3A_850 = arith.constant 0xFF800000 : f32
        %broadcast_in_dim3A_851 = vector.broadcast %jit3A_850 : f32 to vector<16xf32>
        %select_n3A_852 = arith.select %and3A_849, %get3A_843, %broadcast_in_dim3A_851 : vector<16xi1>, vector<16xf32>
        %lt3A_853 = arith.cmpf olt, %select_n3A_852, %broadcast_in_dim3A_124 : vector<16xf32>
        %reduce_and3A = arith.constant 1.000000e+00 : f32
        %reduce_and3A_854 = arith.constant 0.000000e+00 : f32
        %reduce_and3A_855 = vector.broadcast %reduce_and3A : f32 to vector<16xf32>
        %reduce_and3A_856 = vector.broadcast %reduce_and3A_854 : f32 to vector<16xf32>
        %reduce_and3A_857 = arith.select %lt3A_853, %reduce_and3A_855, %reduce_and3A_856 : vector<16xi1>, vector<16xf32>
        %reduce_and3A_858 = arith.constant true
        %reduce_and3A_859 = vector.broadcast %reduce_and3A_858 : i1 to vector<16xi1>
        %reduce_and3A_860 = tpu.scan <min>, %reduce_and3A_857 masked %reduce_and3A_859 : vector<16xf32>, vector<16xi1> -> vector<16xf32>
        %reduce_and3A_861 = vector.extract %reduce_and3A_860[15] : f32 from vector<16xf32>
        %reduce_and3A_862 = arith.constant 0.000000e+00 : f32
        %reduce_and3A_863 = arith.cmpf ogt, %reduce_and3A_861, %reduce_and3A_862 : f32
        %convert_element_type3A_864 = arith.extui %reduce_and3A_863 : i1 to i32
        %cond3A = arith.constant 0 : i32
        %cond3A_865 = arith.cmpi ne, %convert_element_type3A_864, %cond3A : i32
        %cond3A_866:2 = scf.if %cond3A_865 -> (vector<16xi32>, vector<16xi32>) {
          scf.yield %while3A_837, %while3A_838 : vector<16xi32>, vector<16xi32>
        } else {
          %gt3A_867 = arith.cmpf ogt, %select_n3A_852, %broadcast_in_dim3A_124 : vector<16xf32>
          %eq3A_868 = arith.cmpf oeq, %select_n3A_852, %broadcast_in_dim3A_124 : vector<16xf32>
          %and3A_869 = arith.andi %and3A_849, %eq3A_868 : vector<16xi1>
          %convert_element_type3A_870 = arith.extui %and3A_869 : vector<16xi1> to vector<16xi32>
          %broadcast_in_dim3A_871 = arith.constant true
          %broadcast_in_dim3A_872 = vector.broadcast %broadcast_in_dim3A_871 : i1 to vector<16xi1>
          %masked_cumsum3A = tpu.scan <sum>, %convert_element_type3A_870 masked %broadcast_in_dim3A_872 : vector<16xi32>, vector<16xi1> -> vector<16xi32>
          %add3A_873 = arith.addi %while3A_837, %masked_cumsum3A : vector<16xi32>
          %le3A = arith.cmpi sle, %add3A_873, %sub3A_130 : vector<16xi32>
          %and3A_874 = arith.andi %and3A_869, %le3A : vector<16xi1>
          %or3A_875 = arith.ori %gt3A_867, %and3A_874 : vector<16xi1>
          %convert_element_type3A_876 = arith.extui %or3A_875 : vector<16xi1> to vector<16xi32>
          %broadcast_in_dim3A_877 = arith.constant true
          %broadcast_in_dim3A_878 = vector.broadcast %broadcast_in_dim3A_877 : i1 to vector<16xi1>
          %masked_cumsum3A_879 = tpu.scan <sum>, %convert_element_type3A_876 masked %broadcast_in_dim3A_878 : vector<16xi32>, vector<16xi1> -> vector<16xi32>
          %add3A_880 = arith.addi %while3A_838, %masked_cumsum3A_879 : vector<16xi32>
          %sub3A_881 = arith.constant 1 : i32
          %sub3A_882 = vector.broadcast %sub3A_881 : i32 to vector<16xi32>
          %sub3A_883 = arith.subi %add3A_880, %sub3A_882 : vector<16xi32>
          tpu.vector_store_idx %arg8[%sub3A_883], %get3A_843 masked %or3A_875 : memref<32xf32, #tpu.memory_space<vmem>>[vector<16xi32>], vector<16xf32>, vector<16xi1>
          %add3A_884 = vector.broadcast %multiple_of3A : i32 to vector<16xi32>
          %add3A_885 = arith.addi %add3A_845, %add3A_884 : vector<16xi32>
          tpu.vector_store_idx %arg9[%sub3A_883], %add3A_885 masked %or3A_875 : memref<32xi32, #tpu.memory_space<vmem>>[vector<16xi32>], vector<16xi32>, vector<16xi1>
          %all_reduce_population_count3A_886 = tpu.all_reduce %and3A_869 {dim = 0 : i64, kind = #tpu.reduction_kind<sum>} : vector<16xi1> -> vector<16xi32>
          %add3A_887 = arith.addi %while3A_837, %all_reduce_population_count3A_886 : vector<16xi32>
          %all_reduce_population_count3A_888 = tpu.all_reduce %or3A_875 {dim = 0 : i64, kind = #tpu.reduction_kind<sum>} : vector<16xi1> -> vector<16xi32>
          %add3A_889 = arith.addi %while3A_838, %all_reduce_population_count3A_888 : vector<16xi32>
          scf.yield %add3A_887, %add3A_889 : vector<16xi32>, vector<16xi32>
        }
        scf.yield %cond3A_866#0, %cond3A_866#1 : vector<16xi32>, vector<16xi32>
      }
      %reduce_max3A = arith.constant true
      %reduce_max3A_155 = vector.broadcast %reduce_max3A : i1 to vector<16xi1>
      %reduce_max3A_156 = arith.constant -2147483648 : i32
      %reduce_max3A_157 = vector.broadcast %reduce_max3A_156 : i32 to vector<16xi32>
      %reduce_max3A_158 = arith.xori %while3A_154#1, %reduce_max3A_157 : vector<16xi32>
      %reduce_max3A_159 = tpu.scan <max>, %reduce_max3A_158 masked %reduce_max3A_155 : vector<16xi32>, vector<16xi1> -> vector<16xi32>
      %reduce_max3A_160 = arith.xori %reduce_max3A_159, %reduce_max3A_157 : vector<16xi32>
      %reduce_max3A_161 = vector.extract %reduce_max3A_160[15] : i32 from vector<16xi32>
      %get3A_162 = arith.constant 0 : index
      %get3A_163 = tpu.vector_load %arg8[%get3A_162] {strides = array<i32>} : memref<32xf32, #tpu.memory_space<vmem>>, vector<16xf32>,
      %get3A_164 = arith.constant 16 : index
      %get3A_165 = tpu.vector_load %arg8[%get3A_164] {strides = array<i32>} : memref<32xf32, #tpu.memory_space<vmem>>, vector<16xf32>,
      %get3A_166 = arith.constant 0 : index
      %get3A_167 = tpu.vector_load %arg9[%get3A_166] {strides = array<i32>} : memref<32xi32, #tpu.memory_space<vmem>>, vector<16xi32>,
      %get3A_168 = arith.constant 16 : index
      %get3A_169 = tpu.vector_load %arg9[%get3A_168] {strides = array<i32>} : memref<32xi32, #tpu.memory_space<vmem>>, vector<16xi32>,
      %slice3A_170 = vector.extract_strided_slice %get3A_163 {offsets = [0], sizes = [1], strides = [1]} : vector<16xf32> to vector<1xf32>
      %squeeze3A_171 = vector.extract %slice3A_170[0] : f32 from vector<1xf32>
      %broadcast_in_dim3A_172 = vector.broadcast %squeeze3A_171 : f32 to vector<16xf32>
      %slice3A_173 = vector.extract_strided_slice %get3A_167 {offsets = [0], sizes = [1], strides = [1]} : vector<16xi32> to vector<1xi32>
      %squeeze3A_174 = vector.extract %slice3A_173[0] : i32 from vector<1xi32>
      %broadcast_in_dim3A_175 = vector.broadcast %squeeze3A_174 : i32 to vector<16xi32>
      %gt3A_176 = arith.cmpf ogt, %broadcast_in_dim3A_172, %get3A_163 : vector<16xf32>
      %eq3A_177 = arith.cmpf oeq, %broadcast_in_dim3A_172, %get3A_163 : vector<16xf32>
      %lt3A = arith.cmpi slt, %broadcast_in_dim3A_175, %get3A_167 : vector<16xi32>
      %and3A_178 = arith.andi %eq3A_177, %lt3A : vector<16xi1>
      %or3A = arith.ori %gt3A_176, %and3A_178 : vector<16xi1>
      %convert_element_type3A = arith.extui %or3A : vector<16xi1> to vector<16xi32>
      %add3A_179 = arith.addi %broadcast_in_dim3A_42, %convert_element_type3A : vector<16xi32>
      %gt3A_180 = arith.cmpf ogt, %broadcast_in_dim3A_172, %get3A_165 : vector<16xf32>
      %eq3A_181 = arith.cmpf oeq, %broadcast_in_dim3A_172, %get3A_165 : vector<16xf32>
      %lt3A_182 = arith.cmpi slt, %broadcast_in_dim3A_175, %get3A_169 : vector<16xi32>
      %and3A_183 = arith.andi %eq3A_181, %lt3A_182 : vector<16xi1>
      %or3A_184 = arith.ori %gt3A_180, %and3A_183 : vector<16xi1>
      %convert_element_type3A_185 = arith.extui %or3A_184 : vector<16xi1> to vector<16xi32>
      %add3A_186 = arith.addi %broadcast_in_dim3A_42, %convert_element_type3A_185 : vector<16xi32>
      %slice3A_187 = vector.extract_strided_slice %get3A_163 {offsets = [1], sizes = [1], strides = [1]} : vector<16xf32> to vector<1xf32>
      %squeeze3A_188 = vector.extract %slice3A_187[0] : f32 from vector<1xf32>
      %broadcast_in_dim3A_189 = vector.broadcast %squeeze3A_188 : f32 to vector<16xf32>
      %slice3A_190 = vector.extract_strided_slice %get3A_167 {offsets = [1], sizes = [1], strides = [1]} : vector<16xi32> to vector<1xi32>
      %squeeze3A_191 = vector.extract %slice3A_190[0] : i32 from vector<1xi32>
      %broadcast_in_dim3A_192 = vector.broadcast %squeeze3A_191 : i32 to vector<16xi32>
      %gt3A_193 = arith.cmpf ogt, %broadcast_in_dim3A_189, %get3A_163 : vector<16xf32>
      %eq3A_194 = arith.cmpf oeq, %broadcast_in_dim3A_189, %get3A_163 : vector<16xf32>
      %lt3A_195 = arith.cmpi slt, %broadcast_in_dim3A_192, %get3A_167 : vector<16xi32>
      %and3A_196 = arith.andi %eq3A_194, %lt3A_195 : vector<16xi1>
      %or3A_197 = arith.ori %gt3A_193, %and3A_196 : vector<16xi1>
      %convert_element_type3A_198 = arith.extui %or3A_197 : vector<16xi1> to vector<16xi32>
      %add3A_199 = arith.addi %add3A_179, %convert_element_type3A_198 : vector<16xi32>
      %gt3A_200 = arith.cmpf ogt, %broadcast_in_dim3A_189, %get3A_165 : vector<16xf32>
      %eq3A_201 = arith.cmpf oeq, %broadcast_in_dim3A_189, %get3A_165 : vector<16xf32>
      %lt3A_202 = arith.cmpi slt, %broadcast_in_dim3A_192, %get3A_169 : vector<16xi32>
      %and3A_203 = arith.andi %eq3A_201, %lt3A_202 : vector<16xi1>
      %or3A_204 = arith.ori %gt3A_200, %and3A_203 : vector<16xi1>
      %convert_element_type3A_205 = arith.extui %or3A_204 : vector<16xi1> to vector<16xi32>
      %add3A_206 = arith.addi %add3A_186, %convert_element_type3A_205 : vector<16xi32>
      %slice3A_207 = vector.extract_strided_slice %get3A_163 {offsets = [2], sizes = [1], strides = [1]} : vector<16xf32> to vector<1xf32>
      %squeeze3A_208 = vector.extract %slice3A_207[0] : f32 from vector<1xf32>
      %broadcast_in_dim3A_209 = vector.broadcast %squeeze3A_208 : f32 to vector<16xf32>
      %slice3A_210 = vector.extract_strided_slice %get3A_167 {offsets = [2], sizes = [1], strides = [1]} : vector<16xi32> to vector<1xi32>
      %squeeze3A_211 = vector.extract %slice3A_210[0] : i32 from vector<1xi32>
      %broadcast_in_dim3A_212 = vector.broadcast %squeeze3A_211 : i32 to vector<16xi32>
      %gt3A_213 = arith.cmpf ogt, %broadcast_in_dim3A_209, %get3A_163 : vector<16xf32>
      %eq3A_214 = arith.cmpf oeq, %broadcast_in_dim3A_209, %get3A_163 : vector<16xf32>
      %lt3A_215 = arith.cmpi slt, %broadcast_in_dim3A_212, %get3A_167 : vector<16xi32>
      %and3A_216 = arith.andi %eq3A_214, %lt3A_215 : vector<16xi1>
      %or3A_217 = arith.ori %gt3A_213, %and3A_216 : vector<16xi1>
      %convert_element_type3A_218 = arith.extui %or3A_217 : vector<16xi1> to vector<16xi32>
      %add3A_219 = arith.addi %add3A_199, %convert_element_type3A_218 : vector<16xi32>
      %gt3A_220 = arith.cmpf ogt, %broadcast_in_dim3A_209, %get3A_165 : vector<16xf32>
      %eq3A_221 = arith.cmpf oeq, %broadcast_in_dim3A_209, %get3A_165 : vector<16xf32>
      %lt3A_222 = arith.cmpi slt, %broadcast_in_dim3A_212, %get3A_169 : vector<16xi32>
      %and3A_223 = arith.andi %eq3A_221, %lt3A_222 : vector<16xi1>
      %or3A_224 = arith.ori %gt3A_220, %and3A_223 : vector<16xi1>
      %convert_element_type3A_225 = arith.extui %or3A_224 : vector<16xi1> to vector<16xi32>
      %add3A_226 = arith.addi %add3A_206, %convert_element_type3A_225 : vector<16xi32>
      %slice3A_227 = vector.extract_strided_slice %get3A_163 {offsets = [3], sizes = [1], strides = [1]} : vector<16xf32> to vector<1xf32>
      %squeeze3A_228 = vector.extract %slice3A_227[0] : f32 from vector<1xf32>
      %broadcast_in_dim3A_229 = vector.broadcast %squeeze3A_228 : f32 to vector<16xf32>
      %slice3A_230 = vector.extract_strided_slice %get3A_167 {offsets = [3], sizes = [1], strides = [1]} : vector<16xi32> to vector<1xi32>
      %squeeze3A_231 = vector.extract %slice3A_230[0] : i32 from vector<1xi32>
      %broadcast_in_dim3A_232 = vector.broadcast %squeeze3A_231 : i32 to vector<16xi32>
      %gt3A_233 = arith.cmpf ogt, %broadcast_in_dim3A_229, %get3A_163 : vector<16xf32>
      %eq3A_234 = arith.cmpf oeq, %broadcast_in_dim3A_229, %get3A_163 : vector<16xf32>
      %lt3A_235 = arith.cmpi slt, %broadcast_in_dim3A_232, %get3A_167 : vector<16xi32>
      %and3A_236 = arith.andi %eq3A_234, %lt3A_235 : vector<16xi1>
      %or3A_237 = arith.ori %gt3A_233, %and3A_236 : vector<16xi1>
      %convert_element_type3A_238 = arith.extui %or3A_237 : vector<16xi1> to vector<16xi32>
      %add3A_239 = arith.addi %add3A_219, %convert_element_type3A_238 : vector<16xi32>
      %gt3A_240 = arith.cmpf ogt, %broadcast_in_dim3A_229, %get3A_165 : vector<16xf32>
      %eq3A_241 = arith.cmpf oeq, %broadcast_in_dim3A_229, %get3A_165 : vector<16xf32>
      %lt3A_242 = arith.cmpi slt, %broadcast_in_dim3A_232, %get3A_169 : vector<16xi32>
      %and3A_243 = arith.andi %eq3A_241, %lt3A_242 : vector<16xi1>
      %or3A_244 = arith.ori %gt3A_240, %and3A_243 : vector<16xi1>
      %convert_element_type3A_245 = arith.extui %or3A_244 : vector<16xi1> to vector<16xi32>
      %add3A_246 = arith.addi %add3A_226, %convert_element_type3A_245 : vector<16xi32>
      %slice3A_247 = vector.extract_strided_slice %get3A_163 {offsets = [4], sizes = [1], strides = [1]} : vector<16xf32> to vector<1xf32>
      %squeeze3A_248 = vector.extract %slice3A_247[0] : f32 from vector<1xf32>
      %broadcast_in_dim3A_249 = vector.broadcast %squeeze3A_248 : f32 to vector<16xf32>
      %slice3A_250 = vector.extract_strided_slice %get3A_167 {offsets = [4], sizes = [1], strides = [1]} : vector<16xi32> to vector<1xi32>
      %squeeze3A_251 = vector.extract %slice3A_250[0] : i32 from vector<1xi32>
      %broadcast_in_dim3A_252 = vector.broadcast %squeeze3A_251 : i32 to vector<16xi32>
      %gt3A_253 = arith.cmpf ogt, %broadcast_in_dim3A_249, %get3A_163 : vector<16xf32>
      %eq3A_254 = arith.cmpf oeq, %broadcast_in_dim3A_249, %get3A_163 : vector<16xf32>
      %lt3A_255 = arith.cmpi slt, %broadcast_in_dim3A_252, %get3A_167 : vector<16xi32>
      %and3A_256 = arith.andi %eq3A_254, %lt3A_255 : vector<16xi1>
      %or3A_257 = arith.ori %gt3A_253, %and3A_256 : vector<16xi1>
      %convert_element_type3A_258 = arith.extui %or3A_257 : vector<16xi1> to vector<16xi32>
      %add3A_259 = arith.addi %add3A_239, %convert_element_type3A_258 : vector<16xi32>
      %gt3A_260 = arith.cmpf ogt, %broadcast_in_dim3A_249, %get3A_165 : vector<16xf32>
      %eq3A_261 = arith.cmpf oeq, %broadcast_in_dim3A_249, %get3A_165 : vector<16xf32>
      %lt3A_262 = arith.cmpi slt, %broadcast_in_dim3A_252, %get3A_169 : vector<16xi32>
      %and3A_263 = arith.andi %eq3A_261, %lt3A_262 : vector<16xi1>
      %or3A_264 = arith.ori %gt3A_260, %and3A_263 : vector<16xi1>
      %convert_element_type3A_265 = arith.extui %or3A_264 : vector<16xi1> to vector<16xi32>
      %add3A_266 = arith.addi %add3A_246, %convert_element_type3A_265 : vector<16xi32>
      %slice3A_267 = vector.extract_strided_slice %get3A_163 {offsets = [5], sizes = [1], strides = [1]} : vector<16xf32> to vector<1xf32>
      %squeeze3A_268 = vector.extract %slice3A_267[0] : f32 from vector<1xf32>
      %broadcast_in_dim3A_269 = vector.broadcast %squeeze3A_268 : f32 to vector<16xf32>
      %slice3A_270 = vector.extract_strided_slice %get3A_167 {offsets = [5], sizes = [1], strides = [1]} : vector<16xi32> to vector<1xi32>
      %squeeze3A_271 = vector.extract %slice3A_270[0] : i32 from vector<1xi32>
      %broadcast_in_dim3A_272 = vector.broadcast %squeeze3A_271 : i32 to vector<16xi32>
      %gt3A_273 = arith.cmpf ogt, %broadcast_in_dim3A_269, %get3A_163 : vector<16xf32>
      %eq3A_274 = arith.cmpf oeq, %broadcast_in_dim3A_269, %get3A_163 : vector<16xf32>
      %lt3A_275 = arith.cmpi slt, %broadcast_in_dim3A_272, %get3A_167 : vector<16xi32>
      %and3A_276 = arith.andi %eq3A_274, %lt3A_275 : vector<16xi1>
      %or3A_277 = arith.ori %gt3A_273, %and3A_276 : vector<16xi1>
      %convert_element_type3A_278 = arith.extui %or3A_277 : vector<16xi1> to vector<16xi32>
      %add3A_279 = arith.addi %add3A_259, %convert_element_type3A_278 : vector<16xi32>
      %gt3A_280 = arith.cmpf ogt, %broadcast_in_dim3A_269, %get3A_165 : vector<16xf32>
      %eq3A_281 = arith.cmpf oeq, %broadcast_in_dim3A_269, %get3A_165 : vector<16xf32>
      %lt3A_282 = arith.cmpi slt, %broadcast_in_dim3A_272, %get3A_169 : vector<16xi32>
      %and3A_283 = arith.andi %eq3A_281, %lt3A_282 : vector<16xi1>
      %or3A_284 = arith.ori %gt3A_280, %and3A_283 : vector<16xi1>
      %convert_element_type3A_285 = arith.extui %or3A_284 : vector<16xi1> to vector<16xi32>
      %add3A_286 = arith.addi %add3A_266, %convert_element_type3A_285 : vector<16xi32>
      %slice3A_287 = vector.extract_strided_slice %get3A_163 {offsets = [6], sizes = [1], strides = [1]} : vector<16xf32> to vector<1xf32>
      %squeeze3A_288 = vector.extract %slice3A_287[0] : f32 from vector<1xf32>
      %broadcast_in_dim3A_289 = vector.broadcast %squeeze3A_288 : f32 to vector<16xf32>
      %slice3A_290 = vector.extract_strided_slice %get3A_167 {offsets = [6], sizes = [1], strides = [1]} : vector<16xi32> to vector<1xi32>
      %squeeze3A_291 = vector.extract %slice3A_290[0] : i32 from vector<1xi32>
      %broadcast_in_dim3A_292 = vector.broadcast %squeeze3A_291 : i32 to vector<16xi32>
      %gt3A_293 = arith.cmpf ogt, %broadcast_in_dim3A_289, %get3A_163 : vector<16xf32>
      %eq3A_294 = arith.cmpf oeq, %broadcast_in_dim3A_289, %get3A_163 : vector<16xf32>
      %lt3A_295 = arith.cmpi slt, %broadcast_in_dim3A_292, %get3A_167 : vector<16xi32>
      %and3A_296 = arith.andi %eq3A_294, %lt3A_295 : vector<16xi1>
      %or3A_297 = arith.ori %gt3A_293, %and3A_296 : vector<16xi1>
      %convert_element_type3A_298 = arith.extui %or3A_297 : vector<16xi1> to vector<16xi32>
      %add3A_299 = arith.addi %add3A_279, %convert_element_type3A_298 : vector<16xi32>
      %gt3A_300 = arith.cmpf ogt, %broadcast_in_dim3A_289, %get3A_165 : vector<16xf32>
      %eq3A_301 = arith.cmpf oeq, %broadcast_in_dim3A_289, %get3A_165 : vector<16xf32>
      %lt3A_302 = arith.cmpi slt, %broadcast_in_dim3A_292, %get3A_169 : vector<16xi32>
      %and3A_303 = arith.andi %eq3A_301, %lt3A_302 : vector<16xi1>
      %or3A_304 = arith.ori %gt3A_300, %and3A_303 : vector<16xi1>
      %convert_element_type3A_305 = arith.extui %or3A_304 : vector<16xi1> to vector<16xi32>
      %add3A_306 = arith.addi %add3A_286, %convert_element_type3A_305 : vector<16xi32>
      %slice3A_307 = vector.extract_strided_slice %get3A_163 {offsets = [7], sizes = [1], strides = [1]} : vector<16xf32> to vector<1xf32>
      %squeeze3A_308 = vector.extract %slice3A_307[0] : f32 from vector<1xf32>
      %broadcast_in_dim3A_309 = vector.broadcast %squeeze3A_308 : f32 to vector<16xf32>
      %slice3A_310 = vector.extract_strided_slice %get3A_167 {offsets = [7], sizes = [1], strides = [1]} : vector<16xi32> to vector<1xi32>
      %squeeze3A_311 = vector.extract %slice3A_310[0] : i32 from vector<1xi32>
      %broadcast_in_dim3A_312 = vector.broadcast %squeeze3A_311 : i32 to vector<16xi32>
      %gt3A_313 = arith.cmpf ogt, %broadcast_in_dim3A_309, %get3A_163 : vector<16xf32>
      %eq3A_314 = arith.cmpf oeq, %broadcast_in_dim3A_309, %get3A_163 : vector<16xf32>
      %lt3A_315 = arith.cmpi slt, %broadcast_in_dim3A_312, %get3A_167 : vector<16xi32>
      %and3A_316 = arith.andi %eq3A_314, %lt3A_315 : vector<16xi1>
      %or3A_317 = arith.ori %gt3A_313, %and3A_316 : vector<16xi1>
      %convert_element_type3A_318 = arith.extui %or3A_317 : vector<16xi1> to vector<16xi32>
      %add3A_319 = arith.addi %add3A_299, %convert_element_type3A_318 : vector<16xi32>
      %gt3A_320 = arith.cmpf ogt, %broadcast_in_dim3A_309, %get3A_165 : vector<16xf32>
      %eq3A_321 = arith.cmpf oeq, %broadcast_in_dim3A_309, %get3A_165 : vector<16xf32>
      %lt3A_322 = arith.cmpi slt, %broadcast_in_dim3A_312, %get3A_169 : vector<16xi32>
      %and3A_323 = arith.andi %eq3A_321, %lt3A_322 : vector<16xi1>
      %or3A_324 = arith.ori %gt3A_320, %and3A_323 : vector<16xi1>
      %convert_element_type3A_325 = arith.extui %or3A_324 : vector<16xi1> to vector<16xi32>
      %add3A_326 = arith.addi %add3A_306, %convert_element_type3A_325 : vector<16xi32>
      %slice3A_327 = vector.extract_strided_slice %get3A_163 {offsets = [8], sizes = [1], strides = [1]} : vector<16xf32> to vector<1xf32>
      %squeeze3A_328 = vector.extract %slice3A_327[0] : f32 from vector<1xf32>
      %broadcast_in_dim3A_329 = vector.broadcast %squeeze3A_328 : f32 to vector<16xf32>
      %slice3A_330 = vector.extract_strided_slice %get3A_167 {offsets = [8], sizes = [1], strides = [1]} : vector<16xi32> to vector<1xi32>
      %squeeze3A_331 = vector.extract %slice3A_330[0] : i32 from vector<1xi32>
      %broadcast_in_dim3A_332 = vector.broadcast %squeeze3A_331 : i32 to vector<16xi32>
      %gt3A_333 = arith.cmpf ogt, %broadcast_in_dim3A_329, %get3A_163 : vector<16xf32>
      %eq3A_334 = arith.cmpf oeq, %broadcast_in_dim3A_329, %get3A_163 : vector<16xf32>
      %lt3A_335 = arith.cmpi slt, %broadcast_in_dim3A_332, %get3A_167 : vector<16xi32>
      %and3A_336 = arith.andi %eq3A_334, %lt3A_335 : vector<16xi1>
      %or3A_337 = arith.ori %gt3A_333, %and3A_336 : vector<16xi1>
      %convert_element_type3A_338 = arith.extui %or3A_337 : vector<16xi1> to vector<16xi32>
      %add3A_339 = arith.addi %add3A_319, %convert_element_type3A_338 : vector<16xi32>
      %gt3A_340 = arith.cmpf ogt, %broadcast_in_dim3A_329, %get3A_165 : vector<16xf32>
      %eq3A_341 = arith.cmpf oeq, %broadcast_in_dim3A_329, %get3A_165 : vector<16xf32>
      %lt3A_342 = arith.cmpi slt, %broadcast_in_dim3A_332, %get3A_169 : vector<16xi32>
      %and3A_343 = arith.andi %eq3A_341, %lt3A_342 : vector<16xi1>
      %or3A_344 = arith.ori %gt3A_340, %and3A_343 : vector<16xi1>
      %convert_element_type3A_345 = arith.extui %or3A_344 : vector<16xi1> to vector<16xi32>
      %add3A_346 = arith.addi %add3A_326, %convert_element_type3A_345 : vector<16xi32>
      %slice3A_347 = vector.extract_strided_slice %get3A_163 {offsets = [9], sizes = [1], strides = [1]} : vector<16xf32> to vector<1xf32>
      %squeeze3A_348 = vector.extract %slice3A_347[0] : f32 from vector<1xf32>
      %broadcast_in_dim3A_349 = vector.broadcast %squeeze3A_348 : f32 to vector<16xf32>
      %slice3A_350 = vector.extract_strided_slice %get3A_167 {offsets = [9], sizes = [1], strides = [1]} : vector<16xi32> to vector<1xi32>
      %squeeze3A_351 = vector.extract %slice3A_350[0] : i32 from vector<1xi32>
      %broadcast_in_dim3A_352 = vector.broadcast %squeeze3A_351 : i32 to vector<16xi32>
      %gt3A_353 = arith.cmpf ogt, %broadcast_in_dim3A_349, %get3A_163 : vector<16xf32>
      %eq3A_354 = arith.cmpf oeq, %broadcast_in_dim3A_349, %get3A_163 : vector<16xf32>
      %lt3A_355 = arith.cmpi slt, %broadcast_in_dim3A_352, %get3A_167 : vector<16xi32>
      %and3A_356 = arith.andi %eq3A_354, %lt3A_355 : vector<16xi1>
      %or3A_357 = arith.ori %gt3A_353, %and3A_356 : vector<16xi1>
      %convert_element_type3A_358 = arith.extui %or3A_357 : vector<16xi1> to vector<16xi32>
      %add3A_359 = arith.addi %add3A_339, %convert_element_type3A_358 : vector<16xi32>
      %gt3A_360 = arith.cmpf ogt, %broadcast_in_dim3A_349, %get3A_165 : vector<16xf32>
      %eq3A_361 = arith.cmpf oeq, %broadcast_in_dim3A_349, %get3A_165 : vector<16xf32>
      %lt3A_362 = arith.cmpi slt, %broadcast_in_dim3A_352, %get3A_169 : vector<16xi32>
      %and3A_363 = arith.andi %eq3A_361, %lt3A_362 : vector<16xi1>
      %or3A_364 = arith.ori %gt3A_360, %and3A_363 : vector<16xi1>
      %convert_element_type3A_365 = arith.extui %or3A_364 : vector<16xi1> to vector<16xi32>
      %add3A_366 = arith.addi %add3A_346, %convert_element_type3A_365 : vector<16xi32>
      %slice3A_367 = vector.extract_strided_slice %get3A_163 {offsets = [10], sizes = [1], strides = [1]} : vector<16xf32> to vector<1xf32>
      %squeeze3A_368 = vector.extract %slice3A_367[0] : f32 from vector<1xf32>
      %broadcast_in_dim3A_369 = vector.broadcast %squeeze3A_368 : f32 to vector<16xf32>
      %slice3A_370 = vector.extract_strided_slice %get3A_167 {offsets = [10], sizes = [1], strides = [1]} : vector<16xi32> to vector<1xi32>
      %squeeze3A_371 = vector.extract %slice3A_370[0] : i32 from vector<1xi32>
      %broadcast_in_dim3A_372 = vector.broadcast %squeeze3A_371 : i32 to vector<16xi32>
      %gt3A_373 = arith.cmpf ogt, %broadcast_in_dim3A_369, %get3A_163 : vector<16xf32>
      %eq3A_374 = arith.cmpf oeq, %broadcast_in_dim3A_369, %get3A_163 : vector<16xf32>
      %lt3A_375 = arith.cmpi slt, %broadcast_in_dim3A_372, %get3A_167 : vector<16xi32>
      %and3A_376 = arith.andi %eq3A_374, %lt3A_375 : vector<16xi1>
      %or3A_377 = arith.ori %gt3A_373, %and3A_376 : vector<16xi1>
      %convert_element_type3A_378 = arith.extui %or3A_377 : vector<16xi1> to vector<16xi32>
      %add3A_379 = arith.addi %add3A_359, %convert_element_type3A_378 : vector<16xi32>
      %gt3A_380 = arith.cmpf ogt, %broadcast_in_dim3A_369, %get3A_165 : vector<16xf32>
      %eq3A_381 = arith.cmpf oeq, %broadcast_in_dim3A_369, %get3A_165 : vector<16xf32>
      %lt3A_382 = arith.cmpi slt, %broadcast_in_dim3A_372, %get3A_169 : vector<16xi32>
      %and3A_383 = arith.andi %eq3A_381, %lt3A_382 : vector<16xi1>
      %or3A_384 = arith.ori %gt3A_380, %and3A_383 : vector<16xi1>
      %convert_element_type3A_385 = arith.extui %or3A_384 : vector<16xi1> to vector<16xi32>
      %add3A_386 = arith.addi %add3A_366, %convert_element_type3A_385 : vector<16xi32>
      %slice3A_387 = vector.extract_strided_slice %get3A_163 {offsets = [11], sizes = [1], strides = [1]} : vector<16xf32> to vector<1xf32>
      %squeeze3A_388 = vector.extract %slice3A_387[0] : f32 from vector<1xf32>
      %broadcast_in_dim3A_389 = vector.broadcast %squeeze3A_388 : f32 to vector<16xf32>
      %slice3A_390 = vector.extract_strided_slice %get3A_167 {offsets = [11], sizes = [1], strides = [1]} : vector<16xi32> to vector<1xi32>
      %squeeze3A_391 = vector.extract %slice3A_390[0] : i32 from vector<1xi32>
      %broadcast_in_dim3A_392 = vector.broadcast %squeeze3A_391 : i32 to vector<16xi32>
      %gt3A_393 = arith.cmpf ogt, %broadcast_in_dim3A_389, %get3A_163 : vector<16xf32>
      %eq3A_394 = arith.cmpf oeq, %broadcast_in_dim3A_389, %get3A_163 : vector<16xf32>
      %lt3A_395 = arith.cmpi slt, %broadcast_in_dim3A_392, %get3A_167 : vector<16xi32>
      %and3A_396 = arith.andi %eq3A_394, %lt3A_395 : vector<16xi1>
      %or3A_397 = arith.ori %gt3A_393, %and3A_396 : vector<16xi1>
      %convert_element_type3A_398 = arith.extui %or3A_397 : vector<16xi1> to vector<16xi32>
      %add3A_399 = arith.addi %add3A_379, %convert_element_type3A_398 : vector<16xi32>
      %gt3A_400 = arith.cmpf ogt, %broadcast_in_dim3A_389, %get3A_165 : vector<16xf32>
      %eq3A_401 = arith.cmpf oeq, %broadcast_in_dim3A_389, %get3A_165 : vector<16xf32>
      %lt3A_402 = arith.cmpi slt, %broadcast_in_dim3A_392, %get3A_169 : vector<16xi32>
      %and3A_403 = arith.andi %eq3A_401, %lt3A_402 : vector<16xi1>
      %or3A_404 = arith.ori %gt3A_400, %and3A_403 : vector<16xi1>
      %convert_element_type3A_405 = arith.extui %or3A_404 : vector<16xi1> to vector<16xi32>
      %add3A_406 = arith.addi %add3A_386, %convert_element_type3A_405 : vector<16xi32>
      %slice3A_407 = vector.extract_strided_slice %get3A_163 {offsets = [12], sizes = [1], strides = [1]} : vector<16xf32> to vector<1xf32>
      %squeeze3A_408 = vector.extract %slice3A_407[0] : f32 from vector<1xf32>
      %broadcast_in_dim3A_409 = vector.broadcast %squeeze3A_408 : f32 to vector<16xf32>
      %slice3A_410 = vector.extract_strided_slice %get3A_167 {offsets = [12], sizes = [1], strides = [1]} : vector<16xi32> to vector<1xi32>
      %squeeze3A_411 = vector.extract %slice3A_410[0] : i32 from vector<1xi32>
      %broadcast_in_dim3A_412 = vector.broadcast %squeeze3A_411 : i32 to vector<16xi32>
      %gt3A_413 = arith.cmpf ogt, %broadcast_in_dim3A_409, %get3A_163 : vector<16xf32>
      %eq3A_414 = arith.cmpf oeq, %broadcast_in_dim3A_409, %get3A_163 : vector<16xf32>
      %lt3A_415 = arith.cmpi slt, %broadcast_in_dim3A_412, %get3A_167 : vector<16xi32>
      %and3A_416 = arith.andi %eq3A_414, %lt3A_415 : vector<16xi1>
      %or3A_417 = arith.ori %gt3A_413, %and3A_416 : vector<16xi1>
      %convert_element_type3A_418 = arith.extui %or3A_417 : vector<16xi1> to vector<16xi32>
      %add3A_419 = arith.addi %add3A_399, %convert_element_type3A_418 : vector<16xi32>
      %gt3A_420 = arith.cmpf ogt, %broadcast_in_dim3A_409, %get3A_165 : vector<16xf32>
      %eq3A_421 = arith.cmpf oeq, %broadcast_in_dim3A_409, %get3A_165 : vector<16xf32>
      %lt3A_422 = arith.cmpi slt, %broadcast_in_dim3A_412, %get3A_169 : vector<16xi32>
      %and3A_423 = arith.andi %eq3A_421, %lt3A_422 : vector<16xi1>
      %or3A_424 = arith.ori %gt3A_420, %and3A_423 : vector<16xi1>
      %convert_element_type3A_425 = arith.extui %or3A_424 : vector<16xi1> to vector<16xi32>
      %add3A_426 = arith.addi %add3A_406, %convert_element_type3A_425 : vector<16xi32>
      %slice3A_427 = vector.extract_strided_slice %get3A_163 {offsets = [13], sizes = [1], strides = [1]} : vector<16xf32> to vector<1xf32>
      %squeeze3A_428 = vector.extract %slice3A_427[0] : f32 from vector<1xf32>
      %broadcast_in_dim3A_429 = vector.broadcast %squeeze3A_428 : f32 to vector<16xf32>
      %slice3A_430 = vector.extract_strided_slice %get3A_167 {offsets = [13], sizes = [1], strides = [1]} : vector<16xi32> to vector<1xi32>
      %squeeze3A_431 = vector.extract %slice3A_430[0] : i32 from vector<1xi32>
      %broadcast_in_dim3A_432 = vector.broadcast %squeeze3A_431 : i32 to vector<16xi32>
      %gt3A_433 = arith.cmpf ogt, %broadcast_in_dim3A_429, %get3A_163 : vector<16xf32>
      %eq3A_434 = arith.cmpf oeq, %broadcast_in_dim3A_429, %get3A_163 : vector<16xf32>
      %lt3A_435 = arith.cmpi slt, %broadcast_in_dim3A_432, %get3A_167 : vector<16xi32>
      %and3A_436 = arith.andi %eq3A_434, %lt3A_435 : vector<16xi1>
      %or3A_437 = arith.ori %gt3A_433, %and3A_436 : vector<16xi1>
      %convert_element_type3A_438 = arith.extui %or3A_437 : vector<16xi1> to vector<16xi32>
      %add3A_439 = arith.addi %add3A_419, %convert_element_type3A_438 : vector<16xi32>
      %gt3A_440 = arith.cmpf ogt, %broadcast_in_dim3A_429, %get3A_165 : vector<16xf32>
      %eq3A_441 = arith.cmpf oeq, %broadcast_in_dim3A_429, %get3A_165 : vector<16xf32>
      %lt3A_442 = arith.cmpi slt, %broadcast_in_dim3A_432, %get3A_169 : vector<16xi32>
      %and3A_443 = arith.andi %eq3A_441, %lt3A_442 : vector<16xi1>
      %or3A_444 = arith.ori %gt3A_440, %and3A_443 : vector<16xi1>
      %convert_element_type3A_445 = arith.extui %or3A_444 : vector<16xi1> to vector<16xi32>
      %add3A_446 = arith.addi %add3A_426, %convert_element_type3A_445 : vector<16xi32>
      %slice3A_447 = vector.extract_strided_slice %get3A_163 {offsets = [14], sizes = [1], strides = [1]} : vector<16xf32> to vector<1xf32>
      %squeeze3A_448 = vector.extract %slice3A_447[0] : f32 from vector<1xf32>
      %broadcast_in_dim3A_449 = vector.broadcast %squeeze3A_448 : f32 to vector<16xf32>
      %slice3A_450 = vector.extract_strided_slice %get3A_167 {offsets = [14], sizes = [1], strides = [1]} : vector<16xi32> to vector<1xi32>
      %squeeze3A_451 = vector.extract %slice3A_450[0] : i32 from vector<1xi32>
      %broadcast_in_dim3A_452 = vector.broadcast %squeeze3A_451 : i32 to vector<16xi32>
      %gt3A_453 = arith.cmpf ogt, %broadcast_in_dim3A_449, %get3A_163 : vector<16xf32>
      %eq3A_454 = arith.cmpf oeq, %broadcast_in_dim3A_449, %get3A_163 : vector<16xf32>
      %lt3A_455 = arith.cmpi slt, %broadcast_in_dim3A_452, %get3A_167 : vector<16xi32>
      %and3A_456 = arith.andi %eq3A_454, %lt3A_455 : vector<16xi1>
      %or3A_457 = arith.ori %gt3A_453, %and3A_456 : vector<16xi1>
      %convert_element_type3A_458 = arith.extui %or3A_457 : vector<16xi1> to vector<16xi32>
      %add3A_459 = arith.addi %add3A_439, %convert_element_type3A_458 : vector<16xi32>
      %gt3A_460 = arith.cmpf ogt, %broadcast_in_dim3A_449, %get3A_165 : vector<16xf32>
      %eq3A_461 = arith.cmpf oeq, %broadcast_in_dim3A_449, %get3A_165 : vector<16xf32>
      %lt3A_462 = arith.cmpi slt, %broadcast_in_dim3A_452, %get3A_169 : vector<16xi32>
      %and3A_463 = arith.andi %eq3A_461, %lt3A_462 : vector<16xi1>
      %or3A_464 = arith.ori %gt3A_460, %and3A_463 : vector<16xi1>
      %convert_element_type3A_465 = arith.extui %or3A_464 : vector<16xi1> to vector<16xi32>
      %add3A_466 = arith.addi %add3A_446, %convert_element_type3A_465 : vector<16xi32>
      %slice3A_467 = vector.extract_strided_slice %get3A_163 {offsets = [15], sizes = [1], strides = [1]} : vector<16xf32> to vector<1xf32>
      %squeeze3A_468 = vector.extract %slice3A_467[0] : f32 from vector<1xf32>
      %broadcast_in_dim3A_469 = vector.broadcast %squeeze3A_468 : f32 to vector<16xf32>
      %slice3A_470 = vector.extract_strided_slice %get3A_167 {offsets = [15], sizes = [1], strides = [1]} : vector<16xi32> to vector<1xi32>
      %squeeze3A_471 = vector.extract %slice3A_470[0] : i32 from vector<1xi32>
      %broadcast_in_dim3A_472 = vector.broadcast %squeeze3A_471 : i32 to vector<16xi32>
      %gt3A_473 = arith.cmpf ogt, %broadcast_in_dim3A_469, %get3A_163 : vector<16xf32>
      %eq3A_474 = arith.cmpf oeq, %broadcast_in_dim3A_469, %get3A_163 : vector<16xf32>
      %lt3A_475 = arith.cmpi slt, %broadcast_in_dim3A_472, %get3A_167 : vector<16xi32>
      %and3A_476 = arith.andi %eq3A_474, %lt3A_475 : vector<16xi1>
      %or3A_477 = arith.ori %gt3A_473, %and3A_476 : vector<16xi1>
      %convert_element_type3A_478 = arith.extui %or3A_477 : vector<16xi1> to vector<16xi32>
      %add3A_479 = arith.addi %add3A_459, %convert_element_type3A_478 : vector<16xi32>
      %gt3A_480 = arith.cmpf ogt, %broadcast_in_dim3A_469, %get3A_165 : vector<16xf32>
      %eq3A_481 = arith.cmpf oeq, %broadcast_in_dim3A_469, %get3A_165 : vector<16xf32>
      %lt3A_482 = arith.cmpi slt, %broadcast_in_dim3A_472, %get3A_169 : vector<16xi32>
      %and3A_483 = arith.andi %eq3A_481, %lt3A_482 : vector<16xi1>
      %or3A_484 = arith.ori %gt3A_480, %and3A_483 : vector<16xi1>
      %convert_element_type3A_485 = arith.extui %or3A_484 : vector<16xi1> to vector<16xi32>
      %add3A_486 = arith.addi %add3A_466, %convert_element_type3A_485 : vector<16xi32>
      %slice3A_487 = vector.extract_strided_slice %get3A_165 {offsets = [0], sizes = [1], strides = [1]} : vector<16xf32> to vector<1xf32>
      %squeeze3A_488 = vector.extract %slice3A_487[0] : f32 from vector<1xf32>
      %broadcast_in_dim3A_489 = vector.broadcast %squeeze3A_488 : f32 to vector<16xf32>
      %slice3A_490 = vector.extract_strided_slice %get3A_169 {offsets = [0], sizes = [1], strides = [1]} : vector<16xi32> to vector<1xi32>
      %squeeze3A_491 = vector.extract %slice3A_490[0] : i32 from vector<1xi32>
      %broadcast_in_dim3A_492 = vector.broadcast %squeeze3A_491 : i32 to vector<16xi32>
      %gt3A_493 = arith.cmpf ogt, %broadcast_in_dim3A_489, %get3A_163 : vector<16xf32>
      %eq3A_494 = arith.cmpf oeq, %broadcast_in_dim3A_489, %get3A_163 : vector<16xf32>
      %lt3A_495 = arith.cmpi slt, %broadcast_in_dim3A_492, %get3A_167 : vector<16xi32>
      %and3A_496 = arith.andi %eq3A_494, %lt3A_495 : vector<16xi1>
      %or3A_497 = arith.ori %gt3A_493, %and3A_496 : vector<16xi1>
      %convert_element_type3A_498 = arith.extui %or3A_497 : vector<16xi1> to vector<16xi32>
      %add3A_499 = arith.addi %add3A_479, %convert_element_type3A_498 : vector<16xi32>
      %gt3A_500 = arith.cmpf ogt, %broadcast_in_dim3A_489, %get3A_165 : vector<16xf32>
      %eq3A_501 = arith.cmpf oeq, %broadcast_in_dim3A_489, %get3A_165 : vector<16xf32>
      %lt3A_502 = arith.cmpi slt, %broadcast_in_dim3A_492, %get3A_169 : vector<16xi32>
      %and3A_503 = arith.andi %eq3A_501, %lt3A_502 : vector<16xi1>
      %or3A_504 = arith.ori %gt3A_500, %and3A_503 : vector<16xi1>
      %convert_element_type3A_505 = arith.extui %or3A_504 : vector<16xi1> to vector<16xi32>
      %add3A_506 = arith.addi %add3A_486, %convert_element_type3A_505 : vector<16xi32>
      %slice3A_507 = vector.extract_strided_slice %get3A_165 {offsets = [1], sizes = [1], strides = [1]} : vector<16xf32> to vector<1xf32>
      %squeeze3A_508 = vector.extract %slice3A_507[0] : f32 from vector<1xf32>
      %broadcast_in_dim3A_509 = vector.broadcast %squeeze3A_508 : f32 to vector<16xf32>
      %slice3A_510 = vector.extract_strided_slice %get3A_169 {offsets = [1], sizes = [1], strides = [1]} : vector<16xi32> to vector<1xi32>
      %squeeze3A_511 = vector.extract %slice3A_510[0] : i32 from vector<1xi32>
      %broadcast_in_dim3A_512 = vector.broadcast %squeeze3A_511 : i32 to vector<16xi32>
      %gt3A_513 = arith.cmpf ogt, %broadcast_in_dim3A_509, %get3A_163 : vector<16xf32>
      %eq3A_514 = arith.cmpf oeq, %broadcast_in_dim3A_509, %get3A_163 : vector<16xf32>
      %lt3A_515 = arith.cmpi slt, %broadcast_in_dim3A_512, %get3A_167 : vector<16xi32>
      %and3A_516 = arith.andi %eq3A_514, %lt3A_515 : vector<16xi1>
      %or3A_517 = arith.ori %gt3A_513, %and3A_516 : vector<16xi1>
      %convert_element_type3A_518 = arith.extui %or3A_517 : vector<16xi1> to vector<16xi32>
      %add3A_519 = arith.addi %add3A_499, %convert_element_type3A_518 : vector<16xi32>
      %gt3A_520 = arith.cmpf ogt, %broadcast_in_dim3A_509, %get3A_165 : vector<16xf32>
      %eq3A_521 = arith.cmpf oeq, %broadcast_in_dim3A_509, %get3A_165 : vector<16xf32>
      %lt3A_522 = arith.cmpi slt, %broadcast_in_dim3A_512, %get3A_169 : vector<16xi32>
      %and3A_523 = arith.andi %eq3A_521, %lt3A_522 : vector<16xi1>
      %or3A_524 = arith.ori %gt3A_520, %and3A_523 : vector<16xi1>
      %convert_element_type3A_525 = arith.extui %or3A_524 : vector<16xi1> to vector<16xi32>
      %add3A_526 = arith.addi %add3A_506, %convert_element_type3A_525 : vector<16xi32>
      %slice3A_527 = vector.extract_strided_slice %get3A_165 {offsets = [2], sizes = [1], strides = [1]} : vector<16xf32> to vector<1xf32>
      %squeeze3A_528 = vector.extract %slice3A_527[0] : f32 from vector<1xf32>
      %broadcast_in_dim3A_529 = vector.broadcast %squeeze3A_528 : f32 to vector<16xf32>
      %slice3A_530 = vector.extract_strided_slice %get3A_169 {offsets = [2], sizes = [1], strides = [1]} : vector<16xi32> to vector<1xi32>
      %squeeze3A_531 = vector.extract %slice3A_530[0] : i32 from vector<1xi32>
      %broadcast_in_dim3A_532 = vector.broadcast %squeeze3A_531 : i32 to vector<16xi32>
      %gt3A_533 = arith.cmpf ogt, %broadcast_in_dim3A_529, %get3A_163 : vector<16xf32>
      %eq3A_534 = arith.cmpf oeq, %broadcast_in_dim3A_529, %get3A_163 : vector<16xf32>
      %lt3A_535 = arith.cmpi slt, %broadcast_in_dim3A_532, %get3A_167 : vector<16xi32>
      %and3A_536 = arith.andi %eq3A_534, %lt3A_535 : vector<16xi1>
      %or3A_537 = arith.ori %gt3A_533, %and3A_536 : vector<16xi1>
      %convert_element_type3A_538 = arith.extui %or3A_537 : vector<16xi1> to vector<16xi32>
      %add3A_539 = arith.addi %add3A_519, %convert_element_type3A_538 : vector<16xi32>
      %gt3A_540 = arith.cmpf ogt, %broadcast_in_dim3A_529, %get3A_165 : vector<16xf32>
      %eq3A_541 = arith.cmpf oeq, %broadcast_in_dim3A_529, %get3A_165 : vector<16xf32>
      %lt3A_542 = arith.cmpi slt, %broadcast_in_dim3A_532, %get3A_169 : vector<16xi32>
      %and3A_543 = arith.andi %eq3A_541, %lt3A_542 : vector<16xi1>
      %or3A_544 = arith.ori %gt3A_540, %and3A_543 : vector<16xi1>
      %convert_element_type3A_545 = arith.extui %or3A_544 : vector<16xi1> to vector<16xi32>
      %add3A_546 = arith.addi %add3A_526, %convert_element_type3A_545 : vector<16xi32>
      %slice3A_547 = vector.extract_strided_slice %get3A_165 {offsets = [3], sizes = [1], strides = [1]} : vector<16xf32> to vector<1xf32>
      %squeeze3A_548 = vector.extract %slice3A_547[0] : f32 from vector<1xf32>
      %broadcast_in_dim3A_549 = vector.broadcast %squeeze3A_548 : f32 to vector<16xf32>
      %slice3A_550 = vector.extract_strided_slice %get3A_169 {offsets = [3], sizes = [1], strides = [1]} : vector<16xi32> to vector<1xi32>
      %squeeze3A_551 = vector.extract %slice3A_550[0] : i32 from vector<1xi32>
      %broadcast_in_dim3A_552 = vector.broadcast %squeeze3A_551 : i32 to vector<16xi32>
      %gt3A_553 = arith.cmpf ogt, %broadcast_in_dim3A_549, %get3A_163 : vector<16xf32>
      %eq3A_554 = arith.cmpf oeq, %broadcast_in_dim3A_549, %get3A_163 : vector<16xf32>
      %lt3A_555 = arith.cmpi slt, %broadcast_in_dim3A_552, %get3A_167 : vector<16xi32>
      %and3A_556 = arith.andi %eq3A_554, %lt3A_555 : vector<16xi1>
      %or3A_557 = arith.ori %gt3A_553, %and3A_556 : vector<16xi1>
      %convert_element_type3A_558 = arith.extui %or3A_557 : vector<16xi1> to vector<16xi32>
      %add3A_559 = arith.addi %add3A_539, %convert_element_type3A_558 : vector<16xi32>
      %gt3A_560 = arith.cmpf ogt, %broadcast_in_dim3A_549, %get3A_165 : vector<16xf32>
      %eq3A_561 = arith.cmpf oeq, %broadcast_in_dim3A_549, %get3A_165 : vector<16xf32>
      %lt3A_562 = arith.cmpi slt, %broadcast_in_dim3A_552, %get3A_169 : vector<16xi32>
      %and3A_563 = arith.andi %eq3A_561, %lt3A_562 : vector<16xi1>
      %or3A_564 = arith.ori %gt3A_560, %and3A_563 : vector<16xi1>
      %convert_element_type3A_565 = arith.extui %or3A_564 : vector<16xi1> to vector<16xi32>
      %add3A_566 = arith.addi %add3A_546, %convert_element_type3A_565 : vector<16xi32>
      %slice3A_567 = vector.extract_strided_slice %get3A_165 {offsets = [4], sizes = [1], strides = [1]} : vector<16xf32> to vector<1xf32>
      %squeeze3A_568 = vector.extract %slice3A_567[0] : f32 from vector<1xf32>
      %broadcast_in_dim3A_569 = vector.broadcast %squeeze3A_568 : f32 to vector<16xf32>
      %slice3A_570 = vector.extract_strided_slice %get3A_169 {offsets = [4], sizes = [1], strides = [1]} : vector<16xi32> to vector<1xi32>
      %squeeze3A_571 = vector.extract %slice3A_570[0] : i32 from vector<1xi32>
      %broadcast_in_dim3A_572 = vector.broadcast %squeeze3A_571 : i32 to vector<16xi32>
      %gt3A_573 = arith.cmpf ogt, %broadcast_in_dim3A_569, %get3A_163 : vector<16xf32>
      %eq3A_574 = arith.cmpf oeq, %broadcast_in_dim3A_569, %get3A_163 : vector<16xf32>
      %lt3A_575 = arith.cmpi slt, %broadcast_in_dim3A_572, %get3A_167 : vector<16xi32>
      %and3A_576 = arith.andi %eq3A_574, %lt3A_575 : vector<16xi1>
      %or3A_577 = arith.ori %gt3A_573, %and3A_576 : vector<16xi1>
      %convert_element_type3A_578 = arith.extui %or3A_577 : vector<16xi1> to vector<16xi32>
      %add3A_579 = arith.addi %add3A_559, %convert_element_type3A_578 : vector<16xi32>
      %gt3A_580 = arith.cmpf ogt, %broadcast_in_dim3A_569, %get3A_165 : vector<16xf32>
      %eq3A_581 = arith.cmpf oeq, %broadcast_in_dim3A_569, %get3A_165 : vector<16xf32>
      %lt3A_582 = arith.cmpi slt, %broadcast_in_dim3A_572, %get3A_169 : vector<16xi32>
      %and3A_583 = arith.andi %eq3A_581, %lt3A_582 : vector<16xi1>
      %or3A_584 = arith.ori %gt3A_580, %and3A_583 : vector<16xi1>
      %convert_element_type3A_585 = arith.extui %or3A_584 : vector<16xi1> to vector<16xi32>
      %add3A_586 = arith.addi %add3A_566, %convert_element_type3A_585 : vector<16xi32>
      %slice3A_587 = vector.extract_strided_slice %get3A_165 {offsets = [5], sizes = [1], strides = [1]} : vector<16xf32> to vector<1xf32>
      %squeeze3A_588 = vector.extract %slice3A_587[0] : f32 from vector<1xf32>
      %broadcast_in_dim3A_589 = vector.broadcast %squeeze3A_588 : f32 to vector<16xf32>
      %slice3A_590 = vector.extract_strided_slice %get3A_169 {offsets = [5], sizes = [1], strides = [1]} : vector<16xi32> to vector<1xi32>
      %squeeze3A_591 = vector.extract %slice3A_590[0] : i32 from vector<1xi32>
      %broadcast_in_dim3A_592 = vector.broadcast %squeeze3A_591 : i32 to vector<16xi32>
      %gt3A_593 = arith.cmpf ogt, %broadcast_in_dim3A_589, %get3A_163 : vector<16xf32>
      %eq3A_594 = arith.cmpf oeq, %broadcast_in_dim3A_589, %get3A_163 : vector<16xf32>
      %lt3A_595 = arith.cmpi slt, %broadcast_in_dim3A_592, %get3A_167 : vector<16xi32>
      %and3A_596 = arith.andi %eq3A_594, %lt3A_595 : vector<16xi1>
      %or3A_597 = arith.ori %gt3A_593, %and3A_596 : vector<16xi1>
      %convert_element_type3A_598 = arith.extui %or3A_597 : vector<16xi1> to vector<16xi32>
      %add3A_599 = arith.addi %add3A_579, %convert_element_type3A_598 : vector<16xi32>
      %gt3A_600 = arith.cmpf ogt, %broadcast_in_dim3A_589, %get3A_165 : vector<16xf32>
      %eq3A_601 = arith.cmpf oeq, %broadcast_in_dim3A_589, %get3A_165 : vector<16xf32>
      %lt3A_602 = arith.cmpi slt, %broadcast_in_dim3A_592, %get3A_169 : vector<16xi32>
      %and3A_603 = arith.andi %eq3A_601, %lt3A_602 : vector<16xi1>
      %or3A_604 = arith.ori %gt3A_600, %and3A_603 : vector<16xi1>
      %convert_element_type3A_605 = arith.extui %or3A_604 : vector<16xi1> to vector<16xi32>
      %add3A_606 = arith.addi %add3A_586, %convert_element_type3A_605 : vector<16xi32>
      %slice3A_607 = vector.extract_strided_slice %get3A_165 {offsets = [6], sizes = [1], strides = [1]} : vector<16xf32> to vector<1xf32>
      %squeeze3A_608 = vector.extract %slice3A_607[0] : f32 from vector<1xf32>
      %broadcast_in_dim3A_609 = vector.broadcast %squeeze3A_608 : f32 to vector<16xf32>
      %slice3A_610 = vector.extract_strided_slice %get3A_169 {offsets = [6], sizes = [1], strides = [1]} : vector<16xi32> to vector<1xi32>
      %squeeze3A_611 = vector.extract %slice3A_610[0] : i32 from vector<1xi32>
      %broadcast_in_dim3A_612 = vector.broadcast %squeeze3A_611 : i32 to vector<16xi32>
      %gt3A_613 = arith.cmpf ogt, %broadcast_in_dim3A_609, %get3A_163 : vector<16xf32>
      %eq3A_614 = arith.cmpf oeq, %broadcast_in_dim3A_609, %get3A_163 : vector<16xf32>
      %lt3A_615 = arith.cmpi slt, %broadcast_in_dim3A_612, %get3A_167 : vector<16xi32>
      %and3A_616 = arith.andi %eq3A_614, %lt3A_615 : vector<16xi1>
      %or3A_617 = arith.ori %gt3A_613, %and3A_616 : vector<16xi1>
      %convert_element_type3A_618 = arith.extui %or3A_617 : vector<16xi1> to vector<16xi32>
      %add3A_619 = arith.addi %add3A_599, %convert_element_type3A_618 : vector<16xi32>
      %gt3A_620 = arith.cmpf ogt, %broadcast_in_dim3A_609, %get3A_165 : vector<16xf32>
      %eq3A_621 = arith.cmpf oeq, %broadcast_in_dim3A_609, %get3A_165 : vector<16xf32>
      %lt3A_622 = arith.cmpi slt, %broadcast_in_dim3A_612, %get3A_169 : vector<16xi32>
      %and3A_623 = arith.andi %eq3A_621, %lt3A_622 : vector<16xi1>
      %or3A_624 = arith.ori %gt3A_620, %and3A_623 : vector<16xi1>
      %convert_element_type3A_625 = arith.extui %or3A_624 : vector<16xi1> to vector<16xi32>
      %add3A_626 = arith.addi %add3A_606, %convert_element_type3A_625 : vector<16xi32>
      %slice3A_627 = vector.extract_strided_slice %get3A_165 {offsets = [7], sizes = [1], strides = [1]} : vector<16xf32> to vector<1xf32>
      %squeeze3A_628 = vector.extract %slice3A_627[0] : f32 from vector<1xf32>
      %broadcast_in_dim3A_629 = vector.broadcast %squeeze3A_628 : f32 to vector<16xf32>
      %slice3A_630 = vector.extract_strided_slice %get3A_169 {offsets = [7], sizes = [1], strides = [1]} : vector<16xi32> to vector<1xi32>
      %squeeze3A_631 = vector.extract %slice3A_630[0] : i32 from vector<1xi32>
      %broadcast_in_dim3A_632 = vector.broadcast %squeeze3A_631 : i32 to vector<16xi32>
      %gt3A_633 = arith.cmpf ogt, %broadcast_in_dim3A_629, %get3A_163 : vector<16xf32>
      %eq3A_634 = arith.cmpf oeq, %broadcast_in_dim3A_629, %get3A_163 : vector<16xf32>
      %lt3A_635 = arith.cmpi slt, %broadcast_in_dim3A_632, %get3A_167 : vector<16xi32>
      %and3A_636 = arith.andi %eq3A_634, %lt3A_635 : vector<16xi1>
      %or3A_637 = arith.ori %gt3A_633, %and3A_636 : vector<16xi1>
      %convert_element_type3A_638 = arith.extui %or3A_637 : vector<16xi1> to vector<16xi32>
      %add3A_639 = arith.addi %add3A_619, %convert_element_type3A_638 : vector<16xi32>
      %gt3A_640 = arith.cmpf ogt, %broadcast_in_dim3A_629, %get3A_165 : vector<16xf32>
      %eq3A_641 = arith.cmpf oeq, %broadcast_in_dim3A_629, %get3A_165 : vector<16xf32>
      %lt3A_642 = arith.cmpi slt, %broadcast_in_dim3A_632, %get3A_169 : vector<16xi32>
      %and3A_643 = arith.andi %eq3A_641, %lt3A_642 : vector<16xi1>
      %or3A_644 = arith.ori %gt3A_640, %and3A_643 : vector<16xi1>
      %convert_element_type3A_645 = arith.extui %or3A_644 : vector<16xi1> to vector<16xi32>
      %add3A_646 = arith.addi %add3A_626, %convert_element_type3A_645 : vector<16xi32>
      %slice3A_647 = vector.extract_strided_slice %get3A_165 {offsets = [8], sizes = [1], strides = [1]} : vector<16xf32> to vector<1xf32>
      %squeeze3A_648 = vector.extract %slice3A_647[0] : f32 from vector<1xf32>
      %broadcast_in_dim3A_649 = vector.broadcast %squeeze3A_648 : f32 to vector<16xf32>
      %slice3A_650 = vector.extract_strided_slice %get3A_169 {offsets = [8], sizes = [1], strides = [1]} : vector<16xi32> to vector<1xi32>
      %squeeze3A_651 = vector.extract %slice3A_650[0] : i32 from vector<1xi32>
      %broadcast_in_dim3A_652 = vector.broadcast %squeeze3A_651 : i32 to vector<16xi32>
      %gt3A_653 = arith.cmpf ogt, %broadcast_in_dim3A_649, %get3A_163 : vector<16xf32>
      %eq3A_654 = arith.cmpf oeq, %broadcast_in_dim3A_649, %get3A_163 : vector<16xf32>
      %lt3A_655 = arith.cmpi slt, %broadcast_in_dim3A_652, %get3A_167 : vector<16xi32>
      %and3A_656 = arith.andi %eq3A_654, %lt3A_655 : vector<16xi1>
      %or3A_657 = arith.ori %gt3A_653, %and3A_656 : vector<16xi1>
      %convert_element_type3A_658 = arith.extui %or3A_657 : vector<16xi1> to vector<16xi32>
      %add3A_659 = arith.addi %add3A_639, %convert_element_type3A_658 : vector<16xi32>
      %gt3A_660 = arith.cmpf ogt, %broadcast_in_dim3A_649, %get3A_165 : vector<16xf32>
      %eq3A_661 = arith.cmpf oeq, %broadcast_in_dim3A_649, %get3A_165 : vector<16xf32>
      %lt3A_662 = arith.cmpi slt, %broadcast_in_dim3A_652, %get3A_169 : vector<16xi32>
      %and3A_663 = arith.andi %eq3A_661, %lt3A_662 : vector<16xi1>
      %or3A_664 = arith.ori %gt3A_660, %and3A_663 : vector<16xi1>
      %convert_element_type3A_665 = arith.extui %or3A_664 : vector<16xi1> to vector<16xi32>
      %add3A_666 = arith.addi %add3A_646, %convert_element_type3A_665 : vector<16xi32>
      %slice3A_667 = vector.extract_strided_slice %get3A_165 {offsets = [9], sizes = [1], strides = [1]} : vector<16xf32> to vector<1xf32>
      %squeeze3A_668 = vector.extract %slice3A_667[0] : f32 from vector<1xf32>
      %broadcast_in_dim3A_669 = vector.broadcast %squeeze3A_668 : f32 to vector<16xf32>
      %slice3A_670 = vector.extract_strided_slice %get3A_169 {offsets = [9], sizes = [1], strides = [1]} : vector<16xi32> to vector<1xi32>
      %squeeze3A_671 = vector.extract %slice3A_670[0] : i32 from vector<1xi32>
      %broadcast_in_dim3A_672 = vector.broadcast %squeeze3A_671 : i32 to vector<16xi32>
      %gt3A_673 = arith.cmpf ogt, %broadcast_in_dim3A_669, %get3A_163 : vector<16xf32>
      %eq3A_674 = arith.cmpf oeq, %broadcast_in_dim3A_669, %get3A_163 : vector<16xf32>
      %lt3A_675 = arith.cmpi slt, %broadcast_in_dim3A_672, %get3A_167 : vector<16xi32>
      %and3A_676 = arith.andi %eq3A_674, %lt3A_675 : vector<16xi1>
      %or3A_677 = arith.ori %gt3A_673, %and3A_676 : vector<16xi1>
      %convert_element_type3A_678 = arith.extui %or3A_677 : vector<16xi1> to vector<16xi32>
      %add3A_679 = arith.addi %add3A_659, %convert_element_type3A_678 : vector<16xi32>
      %gt3A_680 = arith.cmpf ogt, %broadcast_in_dim3A_669, %get3A_165 : vector<16xf32>
      %eq3A_681 = arith.cmpf oeq, %broadcast_in_dim3A_669, %get3A_165 : vector<16xf32>
      %lt3A_682 = arith.cmpi slt, %broadcast_in_dim3A_672, %get3A_169 : vector<16xi32>
      %and3A_683 = arith.andi %eq3A_681, %lt3A_682 : vector<16xi1>
      %or3A_684 = arith.ori %gt3A_680, %and3A_683 : vector<16xi1>
      %convert_element_type3A_685 = arith.extui %or3A_684 : vector<16xi1> to vector<16xi32>
      %add3A_686 = arith.addi %add3A_666, %convert_element_type3A_685 : vector<16xi32>
      %slice3A_687 = vector.extract_strided_slice %get3A_165 {offsets = [10], sizes = [1], strides = [1]} : vector<16xf32> to vector<1xf32>
      %squeeze3A_688 = vector.extract %slice3A_687[0] : f32 from vector<1xf32>
      %broadcast_in_dim3A_689 = vector.broadcast %squeeze3A_688 : f32 to vector<16xf32>
      %slice3A_690 = vector.extract_strided_slice %get3A_169 {offsets = [10], sizes = [1], strides = [1]} : vector<16xi32> to vector<1xi32>
      %squeeze3A_691 = vector.extract %slice3A_690[0] : i32 from vector<1xi32>
      %broadcast_in_dim3A_692 = vector.broadcast %squeeze3A_691 : i32 to vector<16xi32>
      %gt3A_693 = arith.cmpf ogt, %broadcast_in_dim3A_689, %get3A_163 : vector<16xf32>
      %eq3A_694 = arith.cmpf oeq, %broadcast_in_dim3A_689, %get3A_163 : vector<16xf32>
      %lt3A_695 = arith.cmpi slt, %broadcast_in_dim3A_692, %get3A_167 : vector<16xi32>
      %and3A_696 = arith.andi %eq3A_694, %lt3A_695 : vector<16xi1>
      %or3A_697 = arith.ori %gt3A_693, %and3A_696 : vector<16xi1>
      %convert_element_type3A_698 = arith.extui %or3A_697 : vector<16xi1> to vector<16xi32>
      %add3A_699 = arith.addi %add3A_679, %convert_element_type3A_698 : vector<16xi32>
      %gt3A_700 = arith.cmpf ogt, %broadcast_in_dim3A_689, %get3A_165 : vector<16xf32>
      %eq3A_701 = arith.cmpf oeq, %broadcast_in_dim3A_689, %get3A_165 : vector<16xf32>
      %lt3A_702 = arith.cmpi slt, %broadcast_in_dim3A_692, %get3A_169 : vector<16xi32>
      %and3A_703 = arith.andi %eq3A_701, %lt3A_702 : vector<16xi1>
      %or3A_704 = arith.ori %gt3A_700, %and3A_703 : vector<16xi1>
      %convert_element_type3A_705 = arith.extui %or3A_704 : vector<16xi1> to vector<16xi32>
      %add3A_706 = arith.addi %add3A_686, %convert_element_type3A_705 : vector<16xi32>
      %slice3A_707 = vector.extract_strided_slice %get3A_165 {offsets = [11], sizes = [1], strides = [1]} : vector<16xf32> to vector<1xf32>
      %squeeze3A_708 = vector.extract %slice3A_707[0] : f32 from vector<1xf32>
      %broadcast_in_dim3A_709 = vector.broadcast %squeeze3A_708 : f32 to vector<16xf32>
      %slice3A_710 = vector.extract_strided_slice %get3A_169 {offsets = [11], sizes = [1], strides = [1]} : vector<16xi32> to vector<1xi32>
      %squeeze3A_711 = vector.extract %slice3A_710[0] : i32 from vector<1xi32>
      %broadcast_in_dim3A_712 = vector.broadcast %squeeze3A_711 : i32 to vector<16xi32>
      %gt3A_713 = arith.cmpf ogt, %broadcast_in_dim3A_709, %get3A_163 : vector<16xf32>
      %eq3A_714 = arith.cmpf oeq, %broadcast_in_dim3A_709, %get3A_163 : vector<16xf32>
      %lt3A_715 = arith.cmpi slt, %broadcast_in_dim3A_712, %get3A_167 : vector<16xi32>
      %and3A_716 = arith.andi %eq3A_714, %lt3A_715 : vector<16xi1>
      %or3A_717 = arith.ori %gt3A_713, %and3A_716 : vector<16xi1>
      %convert_element_type3A_718 = arith.extui %or3A_717 : vector<16xi1> to vector<16xi32>
      %add3A_719 = arith.addi %add3A_699, %convert_element_type3A_718 : vector<16xi32>
      %gt3A_720 = arith.cmpf ogt, %broadcast_in_dim3A_709, %get3A_165 : vector<16xf32>
      %eq3A_721 = arith.cmpf oeq, %broadcast_in_dim3A_709, %get3A_165 : vector<16xf32>
      %lt3A_722 = arith.cmpi slt, %broadcast_in_dim3A_712, %get3A_169 : vector<16xi32>
      %and3A_723 = arith.andi %eq3A_721, %lt3A_722 : vector<16xi1>
      %or3A_724 = arith.ori %gt3A_720, %and3A_723 : vector<16xi1>
      %convert_element_type3A_725 = arith.extui %or3A_724 : vector<16xi1> to vector<16xi32>
      %add3A_726 = arith.addi %add3A_706, %convert_element_type3A_725 : vector<16xi32>
      %slice3A_727 = vector.extract_strided_slice %get3A_165 {offsets = [12], sizes = [1], strides = [1]} : vector<16xf32> to vector<1xf32>
      %squeeze3A_728 = vector.extract %slice3A_727[0] : f32 from vector<1xf32>
      %broadcast_in_dim3A_729 = vector.broadcast %squeeze3A_728 : f32 to vector<16xf32>
      %slice3A_730 = vector.extract_strided_slice %get3A_169 {offsets = [12], sizes = [1], strides = [1]} : vector<16xi32> to vector<1xi32>
      %squeeze3A_731 = vector.extract %slice3A_730[0] : i32 from vector<1xi32>
      %broadcast_in_dim3A_732 = vector.broadcast %squeeze3A_731 : i32 to vector<16xi32>
      %gt3A_733 = arith.cmpf ogt, %broadcast_in_dim3A_729, %get3A_163 : vector<16xf32>
      %eq3A_734 = arith.cmpf oeq, %broadcast_in_dim3A_729, %get3A_163 : vector<16xf32>
      %lt3A_735 = arith.cmpi slt, %broadcast_in_dim3A_732, %get3A_167 : vector<16xi32>
      %and3A_736 = arith.andi %eq3A_734, %lt3A_735 : vector<16xi1>
      %or3A_737 = arith.ori %gt3A_733, %and3A_736 : vector<16xi1>
      %convert_element_type3A_738 = arith.extui %or3A_737 : vector<16xi1> to vector<16xi32>
      %add3A_739 = arith.addi %add3A_719, %convert_element_type3A_738 : vector<16xi32>
      %gt3A_740 = arith.cmpf ogt, %broadcast_in_dim3A_729, %get3A_165 : vector<16xf32>
      %eq3A_741 = arith.cmpf oeq, %broadcast_in_dim3A_729, %get3A_165 : vector<16xf32>
      %lt3A_742 = arith.cmpi slt, %broadcast_in_dim3A_732, %get3A_169 : vector<16xi32>
      %and3A_743 = arith.andi %eq3A_741, %lt3A_742 : vector<16xi1>
      %or3A_744 = arith.ori %gt3A_740, %and3A_743 : vector<16xi1>
      %convert_element_type3A_745 = arith.extui %or3A_744 : vector<16xi1> to vector<16xi32>
      %add3A_746 = arith.addi %add3A_726, %convert_element_type3A_745 : vector<16xi32>
      %slice3A_747 = vector.extract_strided_slice %get3A_165 {offsets = [13], sizes = [1], strides = [1]} : vector<16xf32> to vector<1xf32>
      %squeeze3A_748 = vector.extract %slice3A_747[0] : f32 from vector<1xf32>
      %broadcast_in_dim3A_749 = vector.broadcast %squeeze3A_748 : f32 to vector<16xf32>
      %slice3A_750 = vector.extract_strided_slice %get3A_169 {offsets = [13], sizes = [1], strides = [1]} : vector<16xi32> to vector<1xi32>
      %squeeze3A_751 = vector.extract %slice3A_750[0] : i32 from vector<1xi32>
      %broadcast_in_dim3A_752 = vector.broadcast %squeeze3A_751 : i32 to vector<16xi32>
      %gt3A_753 = arith.cmpf ogt, %broadcast_in_dim3A_749, %get3A_163 : vector<16xf32>
      %eq3A_754 = arith.cmpf oeq, %broadcast_in_dim3A_749, %get3A_163 : vector<16xf32>
      %lt3A_755 = arith.cmpi slt, %broadcast_in_dim3A_752, %get3A_167 : vector<16xi32>
      %and3A_756 = arith.andi %eq3A_754, %lt3A_755 : vector<16xi1>
      %or3A_757 = arith.ori %gt3A_753, %and3A_756 : vector<16xi1>
      %convert_element_type3A_758 = arith.extui %or3A_757 : vector<16xi1> to vector<16xi32>
      %add3A_759 = arith.addi %add3A_739, %convert_element_type3A_758 : vector<16xi32>
      %gt3A_760 = arith.cmpf ogt, %broadcast_in_dim3A_749, %get3A_165 : vector<16xf32>
      %eq3A_761 = arith.cmpf oeq, %broadcast_in_dim3A_749, %get3A_165 : vector<16xf32>
      %lt3A_762 = arith.cmpi slt, %broadcast_in_dim3A_752, %get3A_169 : vector<16xi32>
      %and3A_763 = arith.andi %eq3A_761, %lt3A_762 : vector<16xi1>
      %or3A_764 = arith.ori %gt3A_760, %and3A_763 : vector<16xi1>
      %convert_element_type3A_765 = arith.extui %or3A_764 : vector<16xi1> to vector<16xi32>
      %add3A_766 = arith.addi %add3A_746, %convert_element_type3A_765 : vector<16xi32>
      %slice3A_767 = vector.extract_strided_slice %get3A_165 {offsets = [14], sizes = [1], strides = [1]} : vector<16xf32> to vector<1xf32>
      %squeeze3A_768 = vector.extract %slice3A_767[0] : f32 from vector<1xf32>
      %broadcast_in_dim3A_769 = vector.broadcast %squeeze3A_768 : f32 to vector<16xf32>
      %slice3A_770 = vector.extract_strided_slice %get3A_169 {offsets = [14], sizes = [1], strides = [1]} : vector<16xi32> to vector<1xi32>
      %squeeze3A_771 = vector.extract %slice3A_770[0] : i32 from vector<1xi32>
      %broadcast_in_dim3A_772 = vector.broadcast %squeeze3A_771 : i32 to vector<16xi32>
      %gt3A_773 = arith.cmpf ogt, %broadcast_in_dim3A_769, %get3A_163 : vector<16xf32>
      %eq3A_774 = arith.cmpf oeq, %broadcast_in_dim3A_769, %get3A_163 : vector<16xf32>
      %lt3A_775 = arith.cmpi slt, %broadcast_in_dim3A_772, %get3A_167 : vector<16xi32>
      %and3A_776 = arith.andi %eq3A_774, %lt3A_775 : vector<16xi1>
      %or3A_777 = arith.ori %gt3A_773, %and3A_776 : vector<16xi1>
      %convert_element_type3A_778 = arith.extui %or3A_777 : vector<16xi1> to vector<16xi32>
      %add3A_779 = arith.addi %add3A_759, %convert_element_type3A_778 : vector<16xi32>
      %gt3A_780 = arith.cmpf ogt, %broadcast_in_dim3A_769, %get3A_165 : vector<16xf32>
      %eq3A_781 = arith.cmpf oeq, %broadcast_in_dim3A_769, %get3A_165 : vector<16xf32>
      %lt3A_782 = arith.cmpi slt, %broadcast_in_dim3A_772, %get3A_169 : vector<16xi32>
      %and3A_783 = arith.andi %eq3A_781, %lt3A_782 : vector<16xi1>
      %or3A_784 = arith.ori %gt3A_780, %and3A_783 : vector<16xi1>
      %convert_element_type3A_785 = arith.extui %or3A_784 : vector<16xi1> to vector<16xi32>
      %add3A_786 = arith.addi %add3A_766, %convert_element_type3A_785 : vector<16xi32>
      %slice3A_787 = vector.extract_strided_slice %get3A_165 {offsets = [15], sizes = [1], strides = [1]} : vector<16xf32> to vector<1xf32>
      %squeeze3A_788 = vector.extract %slice3A_787[0] : f32 from vector<1xf32>
      %broadcast_in_dim3A_789 = vector.broadcast %squeeze3A_788 : f32 to vector<16xf32>
      %slice3A_790 = vector.extract_strided_slice %get3A_169 {offsets = [15], sizes = [1], strides = [1]} : vector<16xi32> to vector<1xi32>
      %squeeze3A_791 = vector.extract %slice3A_790[0] : i32 from vector<1xi32>
      %broadcast_in_dim3A_792 = vector.broadcast %squeeze3A_791 : i32 to vector<16xi32>
      %gt3A_793 = arith.cmpf ogt, %broadcast_in_dim3A_789, %get3A_163 : vector<16xf32>
      %eq3A_794 = arith.cmpf oeq, %broadcast_in_dim3A_789, %get3A_163 : vector<16xf32>
      %lt3A_795 = arith.cmpi slt, %broadcast_in_dim3A_792, %get3A_167 : vector<16xi32>
      %and3A_796 = arith.andi %eq3A_794, %lt3A_795 : vector<16xi1>
      %or3A_797 = arith.ori %gt3A_793, %and3A_796 : vector<16xi1>
      %convert_element_type3A_798 = arith.extui %or3A_797 : vector<16xi1> to vector<16xi32>
      %add3A_799 = arith.addi %add3A_779, %convert_element_type3A_798 : vector<16xi32>
      %gt3A_800 = arith.cmpf ogt, %broadcast_in_dim3A_789, %get3A_165 : vector<16xf32>
      %eq3A_801 = arith.cmpf oeq, %broadcast_in_dim3A_789, %get3A_165 : vector<16xf32>
      %lt3A_802 = arith.cmpi slt, %broadcast_in_dim3A_792, %get3A_169 : vector<16xi32>
      %and3A_803 = arith.andi %eq3A_801, %lt3A_802 : vector<16xi1>
      %or3A_804 = arith.ori %gt3A_800, %and3A_803 : vector<16xi1>
      %convert_element_type3A_805 = arith.extui %or3A_804 : vector<16xi1> to vector<16xi32>
      %add3A_806 = arith.addi %add3A_786, %convert_element_type3A_805 : vector<16xi32>
      %swap3A_807 = arith.constant 0 : index
      %swap3A_808 = tpu.vector_load %arg10[%swap3A_807] {strides = array<i32>} : memref<32xi32, #tpu.memory_space<vmem>>, vector<16xi32>,
      tpu.vector_store %arg10[%swap3A_807], %broadcast_in_dim3A_42 {strides = array<i32>} : memref<32xi32, #tpu.memory_space<vmem>>, vector<16xi32>,
      %swap3A_809 = arith.constant 16 : index
      %swap3A_810 = tpu.vector_load %arg10[%swap3A_809] {strides = array<i32>} : memref<32xi32, #tpu.memory_space<vmem>>, vector<16xi32>,
      tpu.vector_store %arg10[%swap3A_809], %broadcast_in_dim3A_42 {strides = array<i32>} : memref<32xi32, #tpu.memory_space<vmem>>, vector<16xi32>,
      %lt3A_811 = arith.cmpi slt, %iota3A, %while3A_154#1 : vector<16xi32>
      tpu.vector_store_idx %arg10[%add3A_799], %get3A_167 masked %lt3A_811 : memref<32xi32, #tpu.memory_space<vmem>>[vector<16xi32>], vector<16xi32>, vector<16xi1>
      %add3A_812 = arith.constant 16 : i32
      %add3A_813 = vector.broadcast %add3A_812 : i32 to vector<16xi32>
      %add3A_814 = arith.addi %add3A_813, %iota3A : vector<16xi32>
      %lt3A_815 = arith.cmpi slt, %add3A_814, %while3A_154#1 : vector<16xi32>
      tpu.vector_store_idx %arg10[%add3A_806], %get3A_169 masked %lt3A_815 : memref<32xi32, #tpu.memory_space<vmem>>[vector<16xi32>], vector<16xi32>, vector<16xi1>
      %dma_start3A = arith.constant 0 : i32
      %dma_start3A_816 = arith.constant 0 : i32
      %dma_start3A_817 = tpu.memref_slice %arg2[%dma_start3A, %dma_start3A_816] : memref<100000x128xf32, #tpu.memory_space<hbm>> -> memref<100000x128xf32, #tpu.memory_space<hbm>>
      tpu.enqueue_indirect_dma source(%dma_start3A_817 : memref<100000x128xf32, #tpu.memory_space<hbm>>) target(%arg11 : memref<32x128xf32, #tpu.memory_space<vmem>>) offsets(%arg10 : memref<32xi32, #tpu.memory_space<vmem>>) semaphore(%arg12 : memref<!tpu.dma_semaphore, #tpu.memory_space<semaphore_mem>>)
      %dma_wait3A = arith.constant 0 : i32
      %dma_wait3A_818 = arith.constant 0 : i32
      %dma_wait3A_819 = tpu.memref_slice %arg2[%dma_wait3A, %dma_wait3A_818] : memref<100000x128xf32, #tpu.memory_space<hbm>> -> memref<100000x128xf32, #tpu.memory_space<hbm>>
      tpu.wait_indirect_dma semaphore(%arg12 : memref<!tpu.dma_semaphore, #tpu.memory_space<semaphore_mem>>) src(%dma_wait3A_819 : memref<100000x128xf32, #tpu.memory_space<hbm>>) dst(%arg11 : memref<32x128xf32, #tpu.memory_space<vmem>>)
      %while3A_820 = arith.constant 30 : i32
      %while3A_821 = arith.constant 0 : i32
      %while3A_822 = arith.subi %while3A_820, %reduce_max3A_161 : i32
      %while3A_823 = arith.addi %reduce_max3A_161, %while3A_822 : i32
      %while3A_824 = arith.constant 1 : i32
      %while3A_825 = arith.divsi %while3A_822, %while3A_824 : i32
      %while3A_826 = arith.muli %while3A_825, %while3A_824 : i32
      %while3A_827 = arith.addi %reduce_max3A_161, %while3A_826 : i32
      %while3A_828 = arith.constant 1 : i32
      %while3A_829 = scf.for %while3A_836 = %reduce_max3A_161 to %while3A_827 step %while3A_828 iter_args(%while3A_837 = %while3A_821) -> (i32)  : i32 {
        %swap3A_838 = arith.index_cast %while3A_836 : i32 to index
        %swap3A_839 = arith.constant 0 : index
        %swap3A_840 = tpu.vector_load %arg11[%swap3A_838, %swap3A_839] {strides = array<i32>} : memref<32x128xf32, #tpu.memory_space<vmem>>, vector<16xf32>,
        tpu.vector_store %arg11[%swap3A_838, %swap3A_839], %broadcast_in_dim3A_40 {strides = array<i32>} : memref<32x128xf32, #tpu.memory_space<vmem>>, vector<16xf32>,
        %swap3A_841 = arith.index_cast %while3A_836 : i32 to index
        %swap3A_842 = arith.constant 16 : index
        %swap3A_843 = tpu.vector_load %arg11[%swap3A_841, %swap3A_842] {strides = array<i32>} : memref<32x128xf32, #tpu.memory_space<vmem>>, vector<16xf32>,
        tpu.vector_store %arg11[%swap3A_841, %swap3A_842], %broadcast_in_dim3A_40 {strides = array<i32>} : memref<32x128xf32, #tpu.memory_space<vmem>>, vector<16xf32>,
        %swap3A_844 = arith.index_cast %while3A_836 : i32 to index
        %swap3A_845 = arith.constant 32 : index
        %swap3A_846 = tpu.vector_load %arg11[%swap3A_844, %swap3A_845] {strides = array<i32>} : memref<32x128xf32, #tpu.memory_space<vmem>>, vector<16xf32>,
        tpu.vector_store %arg11[%swap3A_844, %swap3A_845], %broadcast_in_dim3A_40 {strides = array<i32>} : memref<32x128xf32, #tpu.memory_space<vmem>>, vector<16xf32>,
        %swap3A_847 = arith.index_cast %while3A_836 : i32 to index
        %swap3A_848 = arith.constant 48 : index
        %swap3A_849 = tpu.vector_load %arg11[%swap3A_847, %swap3A_848] {strides = array<i32>} : memref<32x128xf32, #tpu.memory_space<vmem>>, vector<16xf32>,
        tpu.vector_store %arg11[%swap3A_847, %swap3A_848], %broadcast_in_dim3A_40 {strides = array<i32>} : memref<32x128xf32, #tpu.memory_space<vmem>>, vector<16xf32>,
        %swap3A_850 = arith.index_cast %while3A_836 : i32 to index
        %swap3A_851 = arith.constant 64 : index
        %swap3A_852 = tpu.vector_load %arg11[%swap3A_850, %swap3A_851] {strides = array<i32>} : memref<32x128xf32, #tpu.memory_space<vmem>>, vector<16xf32>,
        tpu.vector_store %arg11[%swap3A_850, %swap3A_851], %broadcast_in_dim3A_40 {strides = array<i32>} : memref<32x128xf32, #tpu.memory_space<vmem>>, vector<16xf32>,
        %swap3A_853 = arith.index_cast %while3A_836 : i32 to index
        %swap3A_854 = arith.constant 80 : index
        %swap3A_855 = tpu.vector_load %arg11[%swap3A_853, %swap3A_854] {strides = array<i32>} : memref<32x128xf32, #tpu.memory_space<vmem>>, vector<16xf32>,
        tpu.vector_store %arg11[%swap3A_853, %swap3A_854], %broadcast_in_dim3A_40 {strides = array<i32>} : memref<32x128xf32, #tpu.memory_space<vmem>>, vector<16xf32>,
        %swap3A_856 = arith.index_cast %while3A_836 : i32 to index
        %swap3A_857 = arith.constant 96 : index
        %swap3A_858 = tpu.vector_load %arg11[%swap3A_856, %swap3A_857] {strides = array<i32>} : memref<32x128xf32, #tpu.memory_space<vmem>>, vector<16xf32>,
        tpu.vector_store %arg11[%swap3A_856, %swap3A_857], %broadcast_in_dim3A_40 {strides = array<i32>} : memref<32x128xf32, #tpu.memory_space<vmem>>, vector<16xf32>,
        %swap3A_859 = arith.index_cast %while3A_836 : i32 to index
        %swap3A_860 = arith.constant 112 : index
        %swap3A_861 = tpu.vector_load %arg11[%swap3A_859, %swap3A_860] {strides = array<i32>} : memref<32x128xf32, #tpu.memory_space<vmem>>, vector<16xf32>,
        tpu.vector_store %arg11[%swap3A_859, %swap3A_860], %broadcast_in_dim3A_40 {strides = array<i32>} : memref<32x128xf32, #tpu.memory_space<vmem>>, vector<16xf32>,
        %while3A_862 = arith.constant 0 : i32
        scf.yield %while3A_862 : i32
      }
      %while3A_830 = arith.constant 1 : i32
      %while3A_831 = scf.for %while3A_836 = %while3A_827 to %while3A_823 step %while3A_830 iter_args(%while3A_837 = %while3A_829) -> (i32)  : i32 {
        %swap3A_838 = arith.index_cast %while3A_836 : i32 to index
        %swap3A_839 = arith.constant 0 : index
        %swap3A_840 = tpu.vector_load %arg11[%swap3A_838, %swap3A_839] {strides = array<i32>} : memref<32x128xf32, #tpu.memory_space<vmem>>, vector<16xf32>,
        tpu.vector_store %arg11[%swap3A_838, %swap3A_839], %broadcast_in_dim3A_40 {strides = array<i32>} : memref<32x128xf32, #tpu.memory_space<vmem>>, vector<16xf32>,
        %swap3A_841 = arith.index_cast %while3A_836 : i32 to index
        %swap3A_842 = arith.constant 16 : index
        %swap3A_843 = tpu.vector_load %arg11[%swap3A_841, %swap3A_842] {strides = array<i32>} : memref<32x128xf32, #tpu.memory_space<vmem>>, vector<16xf32>,
        tpu.vector_store %arg11[%swap3A_841, %swap3A_842], %broadcast_in_dim3A_40 {strides = array<i32>} : memref<32x128xf32, #tpu.memory_space<vmem>>, vector<16xf32>,
        %swap3A_844 = arith.index_cast %while3A_836 : i32 to index
        %swap3A_845 = arith.constant 32 : index
        %swap3A_846 = tpu.vector_load %arg11[%swap3A_844, %swap3A_845] {strides = array<i32>} : memref<32x128xf32, #tpu.memory_space<vmem>>, vector<16xf32>,
        tpu.vector_store %arg11[%swap3A_844, %swap3A_845], %broadcast_in_dim3A_40 {strides = array<i32>} : memref<32x128xf32, #tpu.memory_space<vmem>>, vector<16xf32>,
        %swap3A_847 = arith.index_cast %while3A_836 : i32 to index
        %swap3A_848 = arith.constant 48 : index
        %swap3A_849 = tpu.vector_load %arg11[%swap3A_847, %swap3A_848] {strides = array<i32>} : memref<32x128xf32, #tpu.memory_space<vmem>>, vector<16xf32>,
        tpu.vector_store %arg11[%swap3A_847, %swap3A_848], %broadcast_in_dim3A_40 {strides = array<i32>} : memref<32x128xf32, #tpu.memory_space<vmem>>, vector<16xf32>,
        %swap3A_850 = arith.index_cast %while3A_836 : i32 to index
        %swap3A_851 = arith.constant 64 : index
        %swap3A_852 = tpu.vector_load %arg11[%swap3A_850, %swap3A_851] {strides = array<i32>} : memref<32x128xf32, #tpu.memory_space<vmem>>, vector<16xf32>,
        tpu.vector_store %arg11[%swap3A_850, %swap3A_851], %broadcast_in_dim3A_40 {strides = array<i32>} : memref<32x128xf32, #tpu.memory_space<vmem>>, vector<16xf32>,
        %swap3A_853 = arith.index_cast %while3A_836 : i32 to index
        %swap3A_854 = arith.constant 80 : index
        %swap3A_855 = tpu.vector_load %arg11[%swap3A_853, %swap3A_854] {strides = array<i32>} : memref<32x128xf32, #tpu.memory_space<vmem>>, vector<16xf32>,
        tpu.vector_store %arg11[%swap3A_853, %swap3A_854], %broadcast_in_dim3A_40 {strides = array<i32>} : memref<32x128xf32, #tpu.memory_space<vmem>>, vector<16xf32>,
        %swap3A_856 = arith.index_cast %while3A_836 : i32 to index
        %swap3A_857 = arith.constant 96 : index
        %swap3A_858 = tpu.vector_load %arg11[%swap3A_856, %swap3A_857] {strides = array<i32>} : memref<32x128xf32, #tpu.memory_space<vmem>>, vector<16xf32>,
        tpu.vector_store %arg11[%swap3A_856, %swap3A_857], %broadcast_in_dim3A_40 {strides = array<i32>} : memref<32x128xf32, #tpu.memory_space<vmem>>, vector<16xf32>,
        %swap3A_859 = arith.index_cast %while3A_836 : i32 to index
        %swap3A_860 = arith.constant 112 : index
        %swap3A_861 = tpu.vector_load %arg11[%swap3A_859, %swap3A_860] {strides = array<i32>} : memref<32x128xf32, #tpu.memory_space<vmem>>, vector<16xf32>,
        tpu.vector_store %arg11[%swap3A_859, %swap3A_860], %broadcast_in_dim3A_40 {strides = array<i32>} : memref<32x128xf32, #tpu.memory_space<vmem>>, vector<16xf32>,
        %while3A_862 = arith.constant 0 : i32
        scf.yield %while3A_862 : i32
      }
      %add3A_832 = arith.addi %mul3A_2, %scan3A_49 : i32
      %mul3A_833 = arith.constant 32 : i32
      %mul3A_834 = arith.muli %add3A_832, %mul3A_833 : i32
      "tpu.region"() ({
        %run_scoped3A = tpu.sem_alloc : memref<!tpu.dma_semaphore, #tpu.memory_space<semaphore_mem>>
        %dma_start3A_836 = arith.constant 0 : i32
        %dma_start3A_837 = tpu.memref_slice %arg5[%mul3A_834, %dma_start3A_836] : memref<8192x128xf32, #tpu.memory_space<hbm>> -> memref<32x128xf32, #tpu.memory_space<hbm>>
        %dma_start3A_838 = arith.constant 0 : i32
        %dma_start3A_839 = tpu.memref_slice %arg5[%mul3A_834, %dma_start3A_838] : memref<8192x128xf32, #tpu.memory_space<hbm>> -> memref<32x128xf32, #tpu.memory_space<hbm>>
        tpu.enqueue_dma source(%arg11 : memref<32x128xf32, #tpu.memory_space<vmem>>) target(%dma_start3A_839 : memref<32x128xf32, #tpu.memory_space<hbm>>) target_semaphore(%run_scoped3A : memref<!tpu.dma_semaphore, #tpu.memory_space<semaphore_mem>>)
        %dma_wait3A_840 = arith.constant 0 : i32
        %dma_wait3A_841 = tpu.memref_slice %arg5[%mul3A_834, %dma_wait3A_840] : memref<8192x128xf32, #tpu.memory_space<hbm>> -> memref<32x128xf32, #tpu.memory_space<hbm>>
        %dma_wait3A_842 = arith.constant 0 : i32
        %dma_wait3A_843 = tpu.memref_slice %arg5[%mul3A_834, %dma_wait3A_842] : memref<8192x128xf32, #tpu.memory_space<hbm>> -> memref<32x128xf32, #tpu.memory_space<hbm>>
        tpu.wait_dma2 semaphore(%run_scoped3A : memref<!tpu.dma_semaphore, #tpu.memory_space<semaphore_mem>>) src(%arg11 : memref<32x128xf32, #tpu.memory_space<vmem>>) dst(%dma_wait3A_843 : memref<32x128xf32, #tpu.memory_space<hbm>>)
        tpu.yield
      }) : () -> ()
      %scan3A_835 = arith.constant 0 : i32
      scf.yield %scan3A_835 : i32
    }
    %scan3A_48 = arith.constant 8 : i32
    return
  }
}

</mosaic_0001>

<sc_bundles>
// kernel: _sc_select_gather.3.cloned.1.call-start
scs
__scs_entry_jumppad:
0x0: {  	(pc) =	sbr.rel $0x88, $3  }
0x1: {  	(tag) =	ssettag $0x0;
	lr =	simm.s32 $0x1  }
0x2: {  	[smem:$0x3F9E] =	sst lr;
	_ =	strace $0xD0000000  }
0x3: {  	_ = 	snop  }
0x4: {  	_ = 	snop  }
0x5: {  	_ = 	snop  }
0x6: {  	_ = 	snop  }
0x7: {  	_ = 	snop  }
__scs_overlays_trampoline_lowered:
0x8: {  	[smem:$0x3FAD] =	sst s0  }
0x9: {  	[smem:$0x3FAE] =	sst s1  }
0xa: {  	[smem:$0x3FAF] =	sst s2  }
0xb: {  	[smem:$0x3FB0] =	sst s3  }
0xc: {  	[smem:$0x3FB1] =	sst s4  }
0xd: {  	[smem:$0x3FB2] =	sst s5  }
0xe: {  	[smem:$0x3FB3] =	sst s6  }
0xf: {  	[smem:$0x3FB4] =	sst s7  }
0x10: {  	[smem:$0x3FB5] =	sst s8  }
0x11: {  	[smem:$0x3FB6] =	sst s9;
	s0 =	simm.s32 @!p0 $0x0  }
0x12: {  	s1 =	sld [smem:$0x3F9C];
	s0 =	simm.s32 @p0 $0x1  }
0x13: {  	[smem:$0x3FB7] =	sst s0;
	s0 =	simm.s32 @!p1 $0x0  }
0x14: {  	s2 =	sld [smem:$0x3F9B];
	s0 =	simm.s32 @p1 $0x1  }
0x15: {  	[smem:$0x3FB8] =	sst s0;
	s0 =	simm.s32 @!p2 $0x0  }
0x16: {  	s3 =	sld [smem:$0x3FDB];
	s0 =	simm.s32 @p2 $0x1  }
0x17: {  	s4 =	simm.s32 $0x1BF5;
	[smem:$0x3FBA] =	sst s0  }
0x18: {  	s0 =	sld [smem:$0x3F9D];
	_ =	swait.ge [sflag:s4], $0x0  }
0x19: {  	s7 =	sld [smem:$0x3F9E]  }
0x1a: {  	s8 =	sadd.s32 $0xFFFFE003, lr  }
0x1b: {  	s9 =	sadd.s32 $0xFFFFFEF7, lr;
	s5 =	simm.s32 $0xFFFFFFFF;
	p2 =	slt.u32 s8, $0xFFFFF086  }
0x1c: {  	p1 =	slt.u32 s9, $0xF7A;
	s5 =	simm.s32 @!p2 $0x0  }
0x1d: {  	s5 =	simm.s32 @p1 $0x1;
	p0 =	seq.s32 s7, s2  }
0x1e: {  	s7 =	smul.u32 @!p0 $0xF7A, s2;
	p2 =	seq.s32 @!p0 s5, $0x0  }
0x1f: {  	s9 =	smul.u32 $0xF7A, s1;
	s8 =	simm.s32 @!p0 $0x1BF5;
	p2 =	por !p2, p0  }
0x20: {  	[sflag:s8] =	ssyncset.s32 @!p0 $0xFFFFF086;
	s6 =	sadd.s32 @!p0 s3, s7;
	s7 =	simm.s32 @!p0 $0x108  }
0x21: {  	s3 =	sadd.s32 s3, s9;
	s6 =	sadd.s32 @!p0 $0x88, s6;
	s7 =	simm.s32 @p2 $0x1082  }
0x22: {  	[simem:s7], [sflag:s8] =	dma.local @!p0 [hbm:s6], $0xF7A  }
0x23: {  	s9 =	sor.u32 $0xD0000000, s2;
	s6 =	simm.s32 $0x108;
	_ =	swait.ge @!p0 [sflag:s8], $0x0  }
0x24: {  	s3 =	sadd.s32 $0x88, s3;
	s6 =	simm.s32 @!p1 $0x1082;
	[sflag:s4] =	ssyncset.s32 $0xFFFFF086  }
0x25: {  	[simem:s6], [sflag:s4] =	dma.local [hbm:s3], $0xF7A  }
0x26: {  	[smem:$0x3F9E] =	sst s1;
	(tag) =	ssettag s2;
	_ =	strace s9  }
0x27: {  	s1 =	sld [smem:$0x3FAE]  }
0x28: {  	s2 =	sld [smem:$0x3FAF]  }
0x29: {  	s4 =	sld [smem:$0x3FB1]  }
0x2a: {  	p0 =	seq.s32 s5, $0x0;
	s5 =	sld [smem:$0x3FB2]  }
0x2b: {  	s6 =	sld [smem:$0x3FB3]  }
0x2c: {  	s7 =	sld [smem:$0x3FB4]  }
0x2d: {  	s3 =	simm.s32 $0x108;
	s8 =	sld [smem:$0x3FB5]  }
0x2e: {  	s3 =	simm.s32 @!p0 $0x1082;
	s9 =	sld [smem:$0x3FB6]  }
0x2f: {  	lr =	sadd.s32 s0, s3;
	s0 =	sld [smem:$0x3FAD]  }
0x30: {  	s3 =	sld [smem:$0x3FB0]  }
0x31: {  	[smem:$0x3FB9] =	sst s10  }
0x32: {  	s10 =	sld [smem:$0x3FB7];
	_ =	sdelay $0x3  }
0x33: {  	p0 =	seq.s32 s10, $0x1;
	s10 =	sld [smem:$0x3FB9];
	_ =	sdelay $0x3  }
0x34: {  	[smem:$0x3FB9] =	sst s10  }
0x35: {  	s10 =	sld [smem:$0x3FB8];
	_ =	sdelay $0x3  }
0x36: {  	p1 =	seq.s32 s10, $0x1;
	s10 =	sld [smem:$0x3FB9];
	_ =	sdelay $0x3  }
0x37: {  	[smem:$0x3FB9] =	sst s10  }
0x38: {  	s10 =	sld [smem:$0x3FBA]  }
0x39: {  	_ = 	snop;
	(pc) =	sbr.ind lr, $3  }
0x3a: {  	_ = 	snop  }
0x3b: {  	_ = 	snop  }
0x3c: {  	p2 =	seq.s32 s10, $0x1;
	s10 =	sld [smem:$0x3FB9]  }
0x3d: {  	_ =	shalt  }
0x3e: {  	_ =	shalt  }
0x3f: {  	_ =	shalt  }
0x40: {  	_ =	shalt  }
0x41: {  	_ =	shalt  }
0x42: {  	_ =	shalt  }
0x43: {  	_ =	shalt  }
0x44: {  	_ =	shalt  }
0x45: {  	_ =	shalt  }
0x46: {  	_ =	shalt  }
0x47: {  	_ =	shalt  }
0x48: {  	_ =	shalt  }
0x49: {  	_ =	shalt  }
0x4a: {  	_ =	shalt  }
0x4b: {  	_ =	shalt  }
0x4c: {  	_ =	shalt  }
0x4d: {  	_ =	shalt  }
0x4e: {  	_ =	shalt  }
0x4f: {  	_ =	shalt  }
0x50: {  	_ =	shalt  }
0x51: {  	_ =	shalt  }
0x52: {  	_ =	shalt  }
0x53: {  	_ =	shalt  }
0x54: {  	_ =	shalt  }
0x55: {  	_ =	shalt  }
0x56: {  	_ =	shalt  }
0x57: {  	_ =	shalt  }
0x58: {  	_ =	shalt  }
0x59: {  	_ =	shalt  }
0x5a: {  	_ =	shalt  }
0x5b: {  	_ =	shalt  }
0x5c: {  	_ =	shalt  }
0x5d: {  	_ =	shalt  }
0x5e: {  	_ =	shalt  }
0x5f: {  	_ =	shalt  }
0x60: {  	_ =	shalt  }
0x61: {  	_ =	shalt  }
0x62: {  	_ =	shalt  }
0x63: {  	_ =	shalt  }
0x64: {  	_ =	shalt  }
0x65: {  	_ =	shalt  }
0x66: {  	_ =	shalt  }
0x67: {  	_ =	shalt  }
0x68: {  	_ =	shalt  }
0x69: {  	_ =	shalt  }
0x6a: {  	_ =	shalt  }
0x6b: {  	_ =	shalt  }
0x6c: {  	_ =	shalt  }
0x6d: {  	_ =	shalt  }
0x6e: {  	_ =	shalt  }
0x6f: {  	_ =	shalt  }
0x70: {  	_ =	shalt  }
0x71: {  	_ =	shalt  }
0x72: {  	_ =	shalt  }
0x73: {  	_ =	shalt  }
0x74: {  	_ =	shalt  }
0x75: {  	_ =	shalt  }
0x76: {  	_ =	shalt  }
0x77: {  	_ =	shalt  }
0x78: {  	_ =	shalt  }
0x79: {  	_ =	shalt  }
0x7a: {  	_ =	shalt  }
0x7b: {  	_ =	shalt  }
0x7c: {  	_ =	shalt  }
0x7d: {  	_ =	shalt  }
0x7e: {  	_ =	shalt  }
0x7f: {  	_ =	shalt  }
0x80: {  	_ =	shalt  }
0x81: {  	_ =	shalt  }
0x82: {  	_ =	shalt  }
0x83: {  	_ =	shalt  }
0x84: {  	_ =	shalt  }
0x85: {  	_ =	shalt  }
0x86: {  	_ =	shalt  }
0x87: {  	_ =	shalt  }
.Lfunc_end0:
.L_simem_size_0:
called_computation_lowered:
.L_overlay_start_0:
0x88: {  	s2 =	sld [smem:$0x3FD9]  }
0x89: {  	s3 =	sld [smem:$0x3FFE];
	_ =	sdelay $0x1  }
0x8a: {  	s1 =	srdreg.scid  }
0x8b: {  	s0 =	sand.u32 $0x1, s1  }
0x8c: {  	s18 =	sshll.u32 s0, $0xA;
	s2 =	sadd.s32 s3, s2  }
0x8d: {  	s2 =	sadd.s32 s2, s18  }
0x8e: {  	[smem:$0x3FC5] =	sst s2  }
0x8f: {  	_ = 	snop  }
0x90: {  	s2 =	sld [smem:$0x3FC9]  }
0x91: {  	s19 =	sld [smem:$0x3FC8]  }
0x92: {  	s4 =	sld [smem:$0x3FC7]  }
0x93: {  	s5 =	sld [smem:$0x3FD0];
	(tm) =	ssettm $0x1  }
0x94: {  	s6 =	sld [smem:$0x3FFB];
	_ =	sdelay $0x3  }
0x95: {  	_ =	strace s6  }
0x96: {  	s6 =	sld [smem:$0x3FFC];
	_ =	sdelay $0x3  }
0x97: {  	_ =	strace s6  }
0x98: {  	s6 =	sld [smem:$0x3FFD];
	_ =	sdelay $0x3  }
0x99: {  	_ =	strace s6  }
0x9a: {  	_ =	strace $0x8FFFFFFF  }
0x9b: {  	s20 =	sld [smem:$0x3FDB];
	_ =	sdelay $0x1  }
0x9c: {  	s7 =	simm.s32 $_scs_section_size  }
0x9d: {  	s8 =	simm.s32 $_size__tile_overlayer_lowered;
	s9 =	simm.s32 $_tile_overlayer_lowered  }
0x9e: {  	s23 =	simm.s32 $0x1BFF;
	s22 =	sshll.u32 s9, $0x1;
	s6 =	sadd.s32 s7, s20  }
0x9f: {  	s10 =	simm.s32 $0x0;
	s21 =	sshll.u32 s8, $0x1;
	s8 =	sadd.s32 s22, s6  }
0xa0: {  	[timem:s10], [sflag:s23] =	dma.local [hbm:s8], s21  }
0xa1: {  	_ =	swait.ge [sflag:s23], s21  }
0xa2: {  	s7 =	ssub.s32 $0x0, s21;
	[sflag:s23] =	ssyncset.done $0x0  }
0xa3: {  	[sflag:s23] =	ssyncadd.s32 s7;
	_ =	sdelay $0x1  }
0xa4: {  	s24 =	simm.s32 $0x1B8B  }
0xa5: {  	_ =	swait.ge [sflag:s24], $0x1  }
0xa6: {  	[sflag:s24] =	ssyncset.done $0x0  }
0xa7: {  	s25 =	simm.s32 $0x1B8E;
	[sflag:s24] =	ssyncadd.s32 $0xFFFFFFFF  }
0xa8: {  	s26 =	simm.s32 $execute0_lowered;
	[smem:$0x3FD2] =	sst s25  }
0xa9: {  	s7 =	sshll.u32 s26, $0x1;
	_ =	strace $0x80000046;
	[dreg:$0x1] =	wrdreg $0xFFFFFFFF  }
0xaa: {  	s28 =	simm.s32 $_size_execute0_lowered;
	s6 =	sadd.s32 s6, s7;
	[dreg:$0x0] =	wrdreg $0x0  }
0xab: {  	s7 =	sshll.u32 s28, $0x1;
	[dreg:$0x2] =	wrdreg s6  }
0xac: {  	[dreg:$0x3] =	wrdreg s7  }
0xad: {  	[dreg:$0x4] =	wrdreg $0xC0  }
0xae: {  	_ =	task [dreg:s10], $0x5FFFF  }
0xaf: {  	[dreg:$0x1] =	wrdreg $0xFFFFFFFF  }
0xb0: {  	[dreg:$0x0] =	wrdreg $0x60  }
0xb1: {  	[dreg:$0x2] =	wrdreg s2  }
0xb2: {  	[dreg:$0x3] =	wrdreg s19  }
0xb3: {  	[dreg:$0x4] =	wrdreg s4  }
0xb4: {  	[dreg:$0x5] =	wrdreg s5  }
0xb5: {  	[dreg:$0x6] =	wrdreg $0x9  }
0xb6: {  	_ =	task.clear_ibuf [dreg:s10], $0x7FFFF;
	_ =	strace $0x90000046  }
0xb7: {  	s29 =	simm.s32 $0x9;
	_ =	strace $0x80000048  }
0xb8: {  	_ =	swait.ge [sflag:s29], $0x1  }
0xb9: {  	[sflag:s29] =	ssyncadd.s32 $0xFFFFFFFF  }
0xba: {  	_ =	strace $0x90000048  }
0xbb: {  	_ =	sfence  }
0xbc: {  	s30 =	sld [smem:$0x0];
	_ =	sdelay $0x2  }
0xbd: {  	s31 =	sshll.u32 s1, $0xD;
	s1 =	sshrl.u32 s1, $0x2  }
0xbe: {  	s3 =	sand.u32 $0x4000, s31;
	s1 =	sadd.s32 s1, s30  }
0xbf: {  	s0 =	sor.u32 s3, s0;
	s1 =	sshll.u32 s1, $0x11  }
0xc0: {  	s0 =	sor.u32 s1, s0  }
0xc1: {  	s0 =	sadd.s32 $0x8F2B, s0  }
0xc2: {  	[sflag:s0] =	ssyncadd.remote.s32 $0x1  }
0xc3: {  	_ =	sfence.sel $0xFFFF  }
0xc4: {  	[dreg:$0x0] =	wrdreg $0xFFFFFFFF;
	(pc) =	sbr.abs _section_cstart, $3  }
0xc5: {  	[dreg:$0x1] =	wrdreg $0xFFFFFFFF  }
0xc6: {  	_ =	task.clear_ibuf [dreg:s10], $0x2FFFF;
	_ =	strace $0x9FFFFFFF  }
0xc7: {  	(tm) =	ssettm $0x7FFFFFFF  }
tec
execute0_lowered:
.L_overlay_start_1:
0x0: {  	(tag) =	ssettag $0x1  }
0x1: {  	s1 =	rddreg [dreg:$0x0]  }
0x2: {  	s2 =	rddreg [dreg:$0x1]  }
0x3: {  	s3 =	rddreg [dreg:$0x2]  }
0x4: {  	s4 =	rddreg [dreg:$0x3];
	s6 =	srdreg.scid  }
0x5: {  	s0 =	rddreg [dreg:$0x4];
	s5 =	simm.s32 $0x0;
	s10 =	simm.s32 $0x2  }
0x6: {  	s11 =	simm.s32 $0x1;
	s12 =	simm.s32 $0x18A80;
	s13 =	simm.s32 $0x20  }
.Ltmp0:
0x7: {  	s14 =	simm.s32 $0x18B00;
	s7 =	sand.u32 $0x1, s6;
	(pc) =	sbr.rel .LBB2_1-.Ltmp0, $4  }
0x8: {  	s15 =	simm.s32 $0x0;
	[smem:$0x7FF] =	sst s5;
	s8 =	ssub.s32 $0x2, s7  }
0x9: {  	v0 =	vlaneseq.u32;
	v1 =	vimm.f32 $0.0e+00;
	s6 =	stileid.u32;
	_ =	strace $0x80000047;
	s9 =	sshrl.u32 s8, $0x1  }
0xa: {  	vm0 =	vcmask $0x70C;
	v2 =	vimm.f32 $-Inf;
	v3 =	vadd.s32 $0x3FFFFFFF, v0;
	s31 =	sshll.u32 s6, $0x4;
	s7 =	sshll.u32 s7, $0x3;
	s8 =	ssub.s32 s8, s9  }
0xb: {  	v5 =	vimm.s32 $0x0;
	v4 =	vadd.s32 $0x4000000F, v0;
	v6 =	vor.u32 $0x10, v0;
	s7 =	sor.u32 s7, s31;
	s9 =	simm.s32 $0x18800;
	s8 =	smax.u32 s8, $0x1  }
.LBB2_18:
0xc: {  	s15 =	sadd.s32 $0x1, s15  }
0xd: {  	p0 =	sne.s32 s15, s8  }
.Ltmp1:
0xe: {  	_ = 	snop;
	(pc) =	sbr.rel @!p0 .LBB2_19-.Ltmp1, $1  }
0xf: {  	_ =	sdelay $0x3  }
.LBB2_1:
0x10: {  	[tilespmem:s9], [sflag:$0x2] =	stream.linear.gather [hbm4b:s3+s5], $0x180, $0x38;
	[tilespmem:$0x19B00] =	vst v63  }
0x11: {  	_ =	swait.ge [sflag:s10], $0x180  }
0x12: {  	[sflag:s10] =	ssyncset.done $0x0  }
0x13: {  	[sflag:s10] =	ssyncadd.s32 $0xFFFFFE80  }
0x14: {  	v7 =	vld [tilespmem:s7+$0x18800];
	_ =	sdelay $0x4  }
0x15: {  	(v2sf) =	vpush v7, $0x0;
	_ =	sdelay $0x6  }
0x16: {  	(v2sf) =	vpush v7, $0x8;
	_ =	sdelay $0x7  }
0x17: {  	s16 =	spop (v2sf)  }
0x18: {  	s17 =	sand.u32 $0x7, s16  }
0x19: {  	s18 =	sshra.s32 s16, $0x1F;
	p0 =	slt.s32 s16, $0x1;
	p1 =	sne.s32 s17, $0x0  }
0x1a: {  	s30 =	sshrl.u32 s18, $0x1D;
	p0 =	por !p0, !p1  }
0x1b: {  	s17 =	simm.s32 $0x1;
	s16 =	sadd.s32 s30, s16;
	p0 =	por !p0, !p0  }
0x1c: {  	s16 =	sshrl.u32 s16, $0x3;
	s17 =	simm.s32 @!p0 $0x0  }
0x1d: {  	s16 =	ssub.s32 s16, s17  }
0x1e: {  	s31 =	spop (v2sf);
	s16 =	sshll.u32 s16, $0x3  }
0x1f: {  	s17 =	ssub.s32 s31, s16  }
0x20: {  	s17 =	sadd.s32 $0x7FF, s17  }
0x21: {  	p0 =	sgt.s32 s17, $0x7FF  }
.Ltmp2:
0x22: {  	_ = 	snop;
	(pc) =	sbr.rel @!p0 .LBB2_5-.Ltmp2, $1  }
0x23: {  	_ =	sdelay $0x3  }
0x24: {  	s18 =	sshra.s32 s17, $0x1F  }
0x25: {  	s18 =	sshrl.u32 s18, $0x15  }
0x26: {  	s30 =	sadd.s32 s18, s17  }
0x27: {  	s17 =	sshra.s32 s30, $0xB  }
0x28: {  	p0 =	seq.s32 s17, $0x1  }
.Ltmp3:
0x29: {  	_ = 	snop;
	(pc) =	sbr.rel @p0 .LBB2_4-.Ltmp3, $4  }
0x2a: {  	s31 =	sshrl.u32 s16, $0x3  }
0x2b: {  	s19 =	simm.s32 $0x0;
	s18 =	sadd.s32 s2, s31  }
0x2c: {  	[tilespmem:s5], [sflag:$0x2] =	stream.linear.gather [hbm4b:s18+s5], $0x800, $0x38;
	[tilespmem:$0x19B00] =	vst v63  }
0x2d: {  	s18 =	sadd.s32 $0x800, s16;
	s17 =	sadd.s32 $0xFFFFFFFF, s17;
	_ =	swait.ge [sflag:s10], $0x800  }
.LBB2_3:
0x2e: {  	s20 =	sshrl.u32 s18, $0x3  }
0x2f: {  	[sflag:s10] =	ssyncset.done $0x0;
	s19 =	sadd.s32 $0x800, s19;
	p0 =	seq.s32 s17, $0x1  }
.Ltmp4:
0x30: {  	s20 =	sadd.s32 s2, s20;
	[sflag:s10] =	ssyncadd.s32 $0xFFFFF800;
	(pc) =	sbr.rel @!p0 .LBB2_3-.Ltmp4, $3  }
0x31: {  	[tilespmem:s19], [sflag:$0x2] =	stream.linear.gather [hbm4b:s20+s5], $0x800, $0x38;
	[tilespmem:$0x19B00] =	vst v63  }
0x32: {  	s17 =	sadd.s32 $0xFFFFFFFF, s17;
	_ =	sdelay $0x1  }
0x33: {  	s18 =	sadd.s32 $0x800, s18;
	_ =	swait.ge [sflag:s10], $0x800  }
.LBB2_4:
0x34: {  	[sflag:s10] =	ssyncset.done $0x0  }
0x35: {  	[sflag:s10] =	ssyncadd.s32 $0xFFFFF800  }
.LBB2_5:
.Ltmp5:
0x36: {  	(pc) =	sbr.rel .LBB2_6-.Ltmp5, $2  }
0x37: {  	_ =	sdelay $0x2  }
0x38: {  	v8 =	vmov s16;
	s17 =	simm.s32 $0x0  }
.LBB2_16:
0x39: {  	[tilespmem:s19+$0xFFFFFFD0] =	vst v1  }
.LBB2_17:
0x3a: {  	s17 =	sadd.s32 s7, s17  }
0x3b: {  	p0 =	sne.s32 s18, $0x8;
	s17 =	sshll.u32 s17, $0x9  }
.Ltmp6:
0x3c: {  	s17 =	sadd.s32 s4, s17;
	(pc) =	sbr.rel @!p0 .LBB2_18-.Ltmp6, $4  }
0x3d: {  	[hbm4b:s17+s5] =	stream.linear.scatter [tilespmem:s14], [sflag:$0x2], $0x1000, $0x38;
	[tilespmem:$0x19B00] =	vst v63  }
0x3e: {  	_ =	swait.ge [sflag:s10], $0x1000  }
0x3f: {  	[sflag:s10] =	ssyncset.done $0x0  }
0x40: {  	s17 =	smov.u32 s18;
	[sflag:s10] =	ssyncadd.s32 $0xFFFFF000  }
.LBB2_6:
0x41: {  	v9 =	vmov s17  }
0x42: {  	vm1 =	veq.s32 v9, v0  }
0x43: {  	v9 =	vnsel vm1, $0x0, v7  }
0x44: {  	(xrf0) =	vadd.scan.msk.s32 $0xffff, v9;
	_ =	sdelay $0x3  }
0x45: {  	s18 =	sadd.s32 $0x1, s17  }
0x46: {  	v9 =	vmov s18  }
0x47: {  	vm1 =	veq.s32 v9, v0;
	v10, _, _ =	vpop (xrf0)  }
0x48: {  	v9 =	vnsel vm1, $0x0, v7;
	(v2sf) =	vpush v10, $0xF  }
0x49: {  	(xrf0) =	vadd.scan.msk.s32 $0xffff, v9;
	_ =	sdelay $0x5  }
0x4a: {  	v9, _, _ =	vpop (xrf0)  }
0x4b: {  	(v2sf) =	vpush v9, $0xF;
	_ =	sdelay $0x6  }
0x4c: {  	s19 =	spop (v2sf)  }
0x4d: {  	s21 =	ssub.s32 s19, s16;
	p0 =	sne.s32 s19, s16;
	s19 =	simm.s32 $0x1  }
0x4e: {  	s20 =	sshra.s32 s21, $0x1F;
	s19 =	simm.s32 @!p0 $0x0  }
0x4f: {  	s22 =	sand.u32 $0xF, s21;
	s19 =	sor.u32 s19, s20  }
0x50: {  	p1 =	sne.s32 s22, $0x0;
	p6 =	sne.s32 s19, $0x1  }
0x51: {  	s29 =	sshrl.u32 s20, $0x1C;
	p0 =	por !p1, !p6  }
0x52: {  	s20 =	simm.s32 $0x1;
	s19 =	sadd.s32 s29, s21;
	p0 =	por !p0, !p0  }
0x53: {  	s19 =	sshra.s32 s19, $0x4;
	s20 =	simm.s32 @!p0 $0x0  }
0x54: {  	s30 =	spop (v2sf);
	s23 =	ssub.s32 s19, s20  }
0x55: {  	s22 =	ssub.s32 s30, s16;
	s19 =	sshll.u32 s23, $0x4  }
0x56: {  	s31 =	ssub.s32 s22, s19  }
0x57: {  	s20 =	sadd.s32 $0xF, s31  }
0x58: {  	p0 =	slt.s32 s20, $0x10  }
.Ltmp7:
0x59: {  	_ = 	snop;
	(pc) =	sbr.rel @p0 .LBB2_10-.Ltmp7, $4  }
0x5a: {  	s24 =	sshra.s32 s20, $0x1F  }
0x5b: {  	s24 =	sshrl.u32 s24, $0x1C  }
0x5c: {  	v12 =	vimm.f32 $-Inf;
	s24 =	sadd.s32 s24, s20  }
0x5d: {  	v13 =	vimm.f32 $-Inf;
	v10 =	vmov s21;
	v11 =	vmov s22;
	s21 =	sshll.u32 s23, $0x6;
	s20 =	sshra.s32 s24, $0x4  }
0x5e: {  	s23 =	sshra.s32 s21, $0x2  }
0x5f: {  	v12 =	vld [tilespmem:s23+$0x0];
	_ =	sdelay $0x1  }
0x60: {  	v9 =	vor.u32 s19, v0  }
0x61: {  	vm1 =	vge.s32 v9, v10;
	vm2 =	vlt.s32 v9, v11  }
0x62: {  	vm1 =	vmand vm1, vm2  }
0x63: {  	v9 =	vimm.f32 $-Inf;
	v12 =	vnsel vm1, $0xFF800000, v12  }
0x64: {  	vm1 =	vle.f32 v12, v9  }
0x65: {  	v13 =	vsel vm1, $0x3F800000, v1  }
0x66: {  	(xrf0) =	vmin.scan.msk.f32 $0xffff, v13;
	_ =	sdelay $0x5  }
0x67: {  	v13, _, _ =	vpop (xrf0)  }
0x68: {  	(v2sf) =	vpush v13, $0xF;
	_ =	sdelay $0xe  }
0x69: {  	s22 =	spop (v2sf)  }
0x6a: {  	p1 =	sgt.f32 s22, $0.0e+00;
	_ =	sdelay $0x1  }
0x6b: {  	(xrf1) =	vsort.ascd.msk.f32 @!p1 $0xffff, v12, v12;
	_ =	sdelay $0xa  }
0x6c: {  	v12 =	vlaneseq.u32 @!p1  }
0x6d: {  	v12 =	vmul.u32 @!p1 $0xFFFFFFFF, v12;
	_ =	sdelay $0x1  }
0x6e: {  	v12 =	vadd.s32 @!p1 $0xF, v12;
	v13, _, _ =	vpop @!p1 (xrf1)  }
0x6f: {  	v13 =	vperm.xlane @!p1 v13, v12;
	_ =	sdelay $0x1  }
0x70: {  	v13 =	vmax.f32 @!p1 v9, v13  }
0x71: {  	(xrf1) =	vsort.ascd.msk.f32 @!p1 $0xffff, v13, v13;
	_ =	sdelay $0xd  }
0x72: {  	v13, _, _ =	vpop @!p1 (xrf1)  }
0x73: {  	v12 =	vperm.xlane @!p1 v13, v12;
	_ =	sdelay $0x1  }
0x74: {  	v13 =	vmin.f32 @!p1 v9, v12  }
0x75: {  	(xrf1) =	vsort.ascd.msk.f32 @!p1 $0xffff, v13, v13;
	_ =	sdelay $0x6  }
0x76: {  	v12 =	vmax.f32 @!p1 v9, v12  }
0x77: {  	(xrf1) =	vsort.ascd.msk.f32 @!p1 $0xffff, v12, v12;
	_ =	sdelay $0x5  }
0x78: {  	vm1 =	vmmov @!p1 $0x1;
	v12, _, _ =	vpop @!p1 (xrf1)  }
0x79: {  	v14 =	vnsel @!p1 vm1, $0x0, v12  }
0x7a: {  	(xrf2) =	vadd.scan.msk.f32 @!p1 $0xffff, v14  }
0x7b: {  	s22 =	sadd.s32 $0xFFFFFFFF, s20  }
0x7c: {  	p2 =	sne.s32 s22, $0x0  }
.Ltmp8:
0x7d: {  	_ = 	snop;
	(pc) =	sbr.rel @!p2 .LBB2_9-.Ltmp8, $3  }
0x7e: {  	_ =	sdelay $0x1  }
0x7f: {  	v15, _, _ =	vpop @!p1 (xrf1)  }
0x80: {  	s24 =	smov.u32 s19;
	s23 =	sadd.s32 $0x10, s23;
	v13 =	vpsel p1, v9, v12;
	v12 =	vpsel p1, v9, v15  }
.LBB2_8:
0x81: {  	v14 =	vld [tilespmem:s23+$0x0];
	s22 =	sadd.s32 $0xFFFFFFFF, s22  }
0x82: {  	s24 =	sadd.s32 $0x10, s24;
	p2 =	sne.s32 s22, $0x0  }
0x83: {  	v15 =	vor.u32 s24, v0;
	v16, _, _ =	vpop @!p1 (xrf2)  }
0x84: {  	vm1 =	vge.s32 v15, v10;
	vm2 =	vlt.s32 v15, v11;
	v15 =	vbroadcast @!p1 v16, $0xF  }
0x85: {  	vm1 =	vmand vm1, vm2  }
0x86: {  	v14 =	vnsel vm1, $0xFF800000, v14;
	v9 =	vpsel p1, v9, v15  }
0x87: {  	vm1 =	vle.f32 v14, v9  }
0x88: {  	v15 =	vsel vm1, $0x3F800000, v1  }
0x89: {  	(xrf0) =	vmin.scan.msk.f32 $0xffff, v15;
	_ =	sdelay $0x5  }
0x8a: {  	v15, _, _ =	vpop (xrf0)  }
0x8b: {  	(v2sf) =	vpush v15, $0xF;
	_ =	sdelay $0xe  }
0x8c: {  	s25 =	spop (v2sf)  }
0x8d: {  	p1 =	sgt.f32 s25, $0.0e+00;
	_ =	sdelay $0x1  }
0x8e: {  	vm1 =	vmmov @!p1 $0x1;
	(xrf1) =	vsort.ascd.msk.f32 @!p1 $0xffff, v14, v14;
	_ =	sdelay $0xa  }
0x8f: {  	v14 =	vlaneseq.u32 @!p1  }
0x90: {  	v14 =	vmul.u32 @!p1 $0xFFFFFFFF, v14;
	_ =	sdelay $0x1  }
0x91: {  	v14 =	vadd.s32 @!p1 $0xF, v14;
	v15, _, _ =	vpop @!p1 (xrf1)  }
0x92: {  	v15 =	vperm.xlane @!p1 v15, v14;
	_ =	sdelay $0x1  }
0x93: {  	v15 =	vmax.f32 @!p1 v13, v15  }
0x94: {  	(xrf1) =	vsort.ascd.msk.f32 @!p1 $0xffff, v15, v15;
	_ =	sdelay $0xd  }
0x95: {  	v15, _, _ =	vpop @!p1 (xrf1)  }
0x96: {  	v14 =	vperm.xlane @!p1 v15, v14;
	_ =	sdelay $0x1  }
0x97: {  	v15 =	vmax.f32 @!p1 v12, v14;
	v14 =	vmin.f32 @!p1 v12, v14  }
0x98: {  	(xrf1) =	vsort.ascd.msk.f32 @!p1 $0xffff, v14, v14  }
0x99: {  	(xrf1) =	vsort.ascd.msk.f32 @!p1 $0xffff, v15, v15;
	_ =	sdelay $0xc  }
0x9a: {  	v14, _, _ =	vpop @!p1 (xrf1)  }
0x9b: {  	v15 =	vnsel @!p1 vm1, $0x0, v14;
	v13 =	vpsel p1, v13, v14;
	v14, _, _ =	vpop @!p1 (xrf1)  }
0x9c: {  	v12 =	vpsel p1, v12, v14;
	(xrf2) =	vadd.scan.msk.f32 @!p1 $0xffff, v15;
	_ =	sdelay $0x2  }
.Ltmp9:
0x9d: {  	(pc) =	sbr.rel @p2 .LBB2_8-.Ltmp9, $2  }
0x9e: {  	_ =	sdelay $0x2  }
0x9f: {  	s23 =	sadd.s32 $0x10, s23  }
.LBB2_9:
0xa0: {  	_ =	sdelay $0x1  }
0xa1: {  	v9, _, _ =	vpop @!p1 (xrf2)  }
.LBB2_10:
0xa2: {  	v9 =	vsel vm0, $0x0, v13  }
0xa3: {  	(xrf2) =	vadd.scan.msk.f32 $0xffff, v9;
	_ =	sdelay $0x5  }
.Ltmp10:
0xa4: {  	_ = 	snop;
	(pc) =	sbr.rel @p0 .LBB2_13-.Ltmp10, $4  }
0xa5: {  	[tilespmem:$0x18980] =	vst v2  }
0xa6: {  	[tilespmem:$0x18990] =	vst v2  }
0xa7: {  	[tilespmem:$0x18A00] =	vst v3  }
0xa8: {  	[tilespmem:$0x18A10] =	vst v4;
	v9 =	vimm.s32 $0x0;
	v14, _, _ =	vpop (xrf2)  }
0xa9: {  	s21 =	sshra.s32 s21, $0x2  }
0xaa: {  	v9 =	vld [tilespmem:s21+$0x0];
	_ =	sdelay $0x1  }
0xab: {  	v15 =	vor.u32 s19, v0  }
0xac: {  	vm1 =	vge.s32 v15, v10;
	vm2 =	vlt.s32 v15, v11  }
0xad: {  	v14 =	vbroadcast v14, $0xF;
	vm1 =	vmand vm1, vm2  }
0xae: {  	v16 =	vnsel vm1, $0xFF800000, v9  }
0xaf: {  	vm2 =	vlt.f32 v16, v14  }
0xb0: {  	v17 =	vsel vm2, $0x3F800000, v1  }
0xb1: {  	(xrf0) =	vmin.scan.msk.f32 $0xffff, v17;
	_ =	sdelay $0x5  }
0xb2: {  	v17, _, _ =	vpop (xrf0)  }
0xb3: {  	(v2sf) =	vpush v17, $0xF;
	_ =	sdelay $0xe  }
0xb4: {  	s22 =	spop (v2sf)  }
0xb5: {  	p0 =	sgt.f32 s22, $0.0e+00;
	_ =	sdelay $0x1  }
0xb6: {  	vm2 =	veq.f32 @!p0 v16, v14  }
0xb7: {  	v17 =	vimm.s32 @!p0 $0x0;
	vm1 =	vmand @!p0 vm1, vm2  }
0xb8: {  	v18 =	vsel @!p0 vm1, $0x1, v17  }
0xb9: {  	(xrf0) =	vadd.scan.msk.s32 @!p0 $0xffff, v18  }
0xba: {  	vm3 =	vgt.f32 v13, v14  }
0xbb: {  	v13 =	vmpcnt.ones.xlane vm3  }
0xbc: {  	vm2 =	vgt.f32 v12, v14  }
0xbd: {  	v12 =	vmpcnt.ones.xlane vm2;
	_ =	sdelay $0x1  }
0xbe: {  	v18 =	vimm.s32 $0x0;
	v12 =	vadd.s32 v13, v12;
	v13, _, _ =	vpop @!p0 (xrf0)  }
0xbf: {  	v12 =	vsub.s32 $0x1E, v12;
	v13 =	vadd.s32 @!p0 v18, v13  }
0xc0: {  	vm2 =	vle.s32 @!p0 v13, v12  }
0xc1: {  	vm3 =	vgt.f32 @!p0 v16, v14;
	vm2 =	vmand @!p0 vm1, vm2  }
0xc2: {  	vm2 =	vmor @!p0 vm3, vm2  }
0xc3: {  	v13 =	vsel @!p0 vm2, $0x1, v17  }
0xc4: {  	(xrf0) =	vadd.scan.msk.s32 @!p0 $0xffff, v13;
	_ =	sdelay $0x5  }
0xc5: {  	v13, _, _ =	vpop @!p0 (xrf0)  }
0xc6: {  	v13 =	vadd.s32 @!p0 v13, v18  }
0xc7: {  	s20 =	sadd.s32 $0xFFFFFFFF, s20;
	v16 =	vadd.s32 @!p0 $0xFFFFFFFF, v13  }
0xc8: {  	p1 =	sne.s32 s20, $0x0  }
.Ltmp11:
0xc9: {  	_ = 	snop;
	(pc) =	sbr.rel @!p1 .LBB2_13-.Ltmp11, $4  }
0xca: {  	v17 =	vmpcnt.ones.xlane @!p0 vm2;
	v13 =	vmpcnt.ones.xlane @!p0 vm1  }
0xcb: {  	s22 =	simm.s32 @!p0 $0x18980;
	v15 =	vadd.s32 @!p0 v8, v15  }
0xcc: {  	v17 =	vadd.s32 @!p0 v18, v17;
	v13 =	vadd.s32 @!p0 v18, v13;
	[tilespmem:v16+s22+$0x0] =	vst.idx.msk @!p0 vm2, v9;
	s22 =	simm.s32 @!p0 $0x18A00  }
0xcd: {  	s21 =	sadd.s32 $0x10, s21;
	v13 =	vpsel p0, v18, v13;
	v9 =	vpsel p0, v18, v17;
	[tilespmem:v16+s22+$0x0] =	vst.idx.msk @!p0 vm2, v15  }
.LBB2_12:
0xce: {  	v15 =	vld [tilespmem:s21+$0x0];
	v16 =	vmov v13;
	v17 =	vmov v9  }
0xcf: {  	s20 =	sadd.s32 $0xFFFFFFFF, s20;
	s19 =	sadd.s32 $0x10, s19  }
0xd0: {  	v18 =	vor.u32 s19, v0;
	p0 =	sne.s32 s20, $0x0  }
0xd1: {  	vm1 =	vge.s32 v18, v10;
	vm2 =	vlt.s32 v18, v11  }
0xd2: {  	vm1 =	vmand vm1, vm2  }
0xd3: {  	v19 =	vnsel vm1, $0xFF800000, v15  }
0xd4: {  	vm2 =	vlt.f32 v19, v14  }
0xd5: {  	v20 =	vsel vm2, $0x3F800000, v1  }
0xd6: {  	(xrf0) =	vmin.scan.msk.f32 $0xffff, v20;
	_ =	sdelay $0x5  }
0xd7: {  	v20, _, _ =	vpop (xrf0)  }
0xd8: {  	(v2sf) =	vpush v20, $0xF;
	_ =	sdelay $0xe  }
0xd9: {  	s22 =	spop (v2sf)  }
0xda: {  	p1 =	sgt.f32 s22, $0.0e+00;
	_ =	sdelay $0x1  }
0xdb: {  	vm2 =	veq.f32 @!p1 v19, v14  }
0xdc: {  	v20 =	vimm.s32 @!p1 $0x0;
	vm1 =	vmand @!p1 vm1, vm2  }
0xdd: {  	v21 =	vsel @!p1 vm1, $0x1, v20;
	v22 =	vmpcnt.ones.xlane @!p1 vm1  }
0xde: {  	(xrf0) =	vadd.scan.msk.s32 @!p1 $0xffff, v21  }
0xdf: {  	v21 =	vadd.s32 @!p1 v13, v22  }
0xe0: {  	v13 =	vpsel p1, v13, v21;
	_ =	sdelay $0x3  }
0xe1: {  	v21, _, _ =	vpop @!p1 (xrf0)  }
0xe2: {  	v16 =	vadd.s32 @!p1 v16, v21  }
0xe3: {  	vm2 =	vle.s32 @!p1 v16, v12  }
0xe4: {  	vm3 =	vgt.f32 @!p1 v19, v14;
	vm1 =	vmand @!p1 vm1, vm2  }
0xe5: {  	vm1 =	vmor @!p1 vm3, vm1  }
0xe6: {  	v16 =	vsel @!p1 vm1, $0x1, v20;
	v19 =	vmpcnt.ones.xlane @!p1 vm1  }
0xe7: {  	(xrf0) =	vadd.scan.msk.s32 @!p1 $0xffff, v16  }
0xe8: {  	v16 =	vadd.s32 @!p1 v9, v19  }
0xe9: {  	v9 =	vpsel p1, v9, v16;
	_ =	sdelay $0x3  }
0xea: {  	v16, _, _ =	vpop @!p1 (xrf0)  }
0xeb: {  	v16 =	vadd.s32 @!p1 v16, v17  }
0xec: {  	v16 =	vadd.s32 @!p1 $0xFFFFFFFF, v16;
	_ =	sdelay $0x1  }
.Ltmp12:
0xed: {  	(pc) =	sbr.rel @p0 .LBB2_12-.Ltmp12, $4  }
0xee: {  	_ = 	snop  }
0xef: {  	s22 =	simm.s32 @!p1 $0x18980  }
0xf0: {  	[tilespmem:v16+s22+$0x0] =	vst.idx.msk @!p1 vm1, v15;
	v15 =	vadd.s32 @!p1 v8, v18;
	s22 =	simm.s32 @!p1 $0x18A00  }
0xf1: {  	s21 =	sadd.s32 $0x10, s21;
	[tilespmem:v16+s22+$0x0] =	vst.idx.msk @!p1 vm1, v15  }
.LBB2_13:
0xf2: {  	v13 =	vld [tilespmem:$0x18980]  }
0xf3: {  	v10 =	vld [tilespmem:$0x18A00];
	_ =	sdelay $0x3  }
0xf4: {  	v15 =	vbroadcast v13, $0x0  }
0xf5: {  	v16 =	vbroadcast v10, $0x0;
	v25 =	vbroadcast v13, $0x1  }
0xf6: {  	v26 =	vbroadcast v10, $0x1;
	v29 =	vbroadcast v13, $0x2  }
0xf7: {  	v18 =	vbroadcast v10, $0x2;
	v32 =	vbroadcast v13, $0x3  }
0xf8: {  	v33 =	vbroadcast v10, $0x3;
	v36 =	vbroadcast v13, $0x4  }
0xf9: {  	v37 =	vbroadcast v10, $0x4;
	v39 =	vbroadcast v13, $0x5  }
0xfa: {  	v14 =	vxor.u32 $0x80000000, v9;
	v40 =	vbroadcast v10, $0x5;
	v43 =	vbroadcast v13, $0x6  }
0xfb: {  	(xrf0) =	vmax.scan.msk.u32 $0xffff, v14;
	v44 =	vbroadcast v10, $0x6;
	v48 =	vbroadcast v13, $0x7  }
0xfc: {  	v12 =	vld [tilespmem:$0x18990];
	v49 =	vbroadcast v10, $0x7;
	v51 =	vbroadcast v13, $0x8  }
0xfd: {  	v11 =	vld [tilespmem:$0x18A10];
	v52 =	vbroadcast v10, $0x8;
	v55 =	vbroadcast v13, $0x9  }
0xfe: {  	v56 =	vbroadcast v10, $0x9;
	v60 =	vbroadcast v13, $0xA  }
0xff: {  	v61 =	vbroadcast v10, $0xA;
	v63 =	vbroadcast v13, $0xB  }
0x100: {  	v22 =	vbroadcast v10, $0xB;
	vm1 =	veq.f32 v15, v13;
	vm2 =	vlt.s32 v16, v10  }
0x101: {  	vm3 =	vgt.f32 v15, v13;
	v27, _, _ =	vpop (xrf0);
	vm1 =	vmand vm1, vm2;
	vm2 =	veq.f32 v15, v12  }
0x102: {  	(v2sf) =	vpush v27, $0xF;
	vm1 =	vmor vm3, vm1;
	vm3 =	vlt.s32 v16, v11  }
0x103: {  	v17 =	vsel vm1, $0x1, v5;
	vm1 =	vgt.f32 v15, v12;
	vm2 =	vmand vm2, vm3  }
0x104: {  	vm3 =	vlt.s32 v26, v10;
	vm1 =	vmor vm1, vm2;
	vm2 =	veq.f32 v25, v13  }
0x105: {  	vm2 =	vmand vm2, vm3;
	vm3 =	vgt.f32 v25, v13;
	v28 =	vsel vm1, $0x1, v5  }
0x106: {  	vm1 =	vmor vm3, vm2;
	vm2 =	veq.f32 v25, v12;
	vm3 =	vlt.s32 v26, v11  }
0x107: {  	v26 =	vbroadcast v10, $0xC;
	v19 =	vsel vm1, $0x1, v5;
	vm1 =	vgt.f32 v25, v12  }
0x108: {  	vm2 =	vmand vm2, vm3;
	vm3 =	vlt.s32 v18, v10;
	v25 =	vbroadcast v13, $0xC  }
0x109: {  	vm1 =	vmor vm1, vm2;
	vm2 =	veq.f32 v29, v13;
	v30 =	vadd.s32 v19, v17  }
0x10a: {  	vm2 =	vmand vm2, vm3;
	vm3 =	vgt.f32 v29, v13;
	v31 =	vsel vm1, $0x1, v5  }
0x10b: {  	vm1 =	vmor vm3, vm2;
	vm2 =	veq.f32 v29, v12;
	vm3 =	vlt.s32 v18, v11  }
0x10c: {  	v15 =	vadd.s32 v31, v28;
	v31 =	vbroadcast v10, $0xD;
	v20 =	vsel vm1, $0x1, v5  }
0x10d: {  	vm1 =	vgt.f32 v29, v12;
	vm2 =	vmand vm2, vm3;
	vm3 =	vlt.s32 v33, v10  }
0x10e: {  	vm1 =	vmor vm1, vm2;
	vm2 =	veq.f32 v32, v13;
	v14 =	vadd.s32 v20, v30  }
0x10f: {  	vm2 =	vmand vm2, vm3;
	vm3 =	vgt.f32 v32, v13;
	v34 =	vsel vm1, $0x1, v5  }
0x110: {  	v30 =	vbroadcast v13, $0xD;
	vm1 =	vmor vm3, vm2;
	v15 =	vadd.s32 v34, v15  }
0x111: {  	vm2 =	vlt.s32 v33, v11;
	v35 =	vsel vm1, $0x1, v5;
	vm1 =	veq.f32 v32, v12  }
0x112: {  	vm3 =	vgt.f32 v32, v12;
	v33 =	vbroadcast v13, $0xE;
	vm1 =	vmand vm1, vm2  }
0x113: {  	v34 =	vbroadcast v10, $0xE;
	v14 =	vadd.s32 v35, v14;
	vm1 =	vmor vm3, vm1  }
0x114: {  	vm2 =	veq.f32 v36, v13;
	vm3 =	vlt.s32 v37, v10;
	v38 =	vsel vm1, $0x1, v5  }
0x115: {  	vm1 =	vgt.f32 v36, v13;
	vm2 =	vmand vm2, vm3;
	vm3 =	vlt.s32 v37, v11  }
0x116: {  	v37 =	vbroadcast v13, $0xF;
	v15 =	vadd.s32 v38, v15;
	vm1 =	vmor vm1, vm2  }
0x117: {  	vm2 =	veq.f32 v36, v12;
	v38 =	vbroadcast v10, $0xF;
	v41 =	vsel vm1, $0x1, v5  }
0x118: {  	vm1 =	vgt.f32 v36, v12;
	vm2 =	vmand vm2, vm3;
	vm3 =	vlt.s32 v40, v10  }
0x119: {  	vm1 =	vmor vm1, vm2;
	vm2 =	veq.f32 v39, v13;
	v14 =	vadd.s32 v41, v14  }
0x11a: {  	vm2 =	vmand vm2, vm3;
	vm3 =	vgt.f32 v39, v13;
	v42 =	vsel vm1, $0x1, v5  }
0x11b: {  	vm1 =	vmor vm3, vm2;
	vm2 =	veq.f32 v39, v12;
	vm3 =	vlt.s32 v40, v11  }
0x11c: {  	v15 =	vadd.s32 v42, v15;
	v42 =	vbroadcast v12, $0x0;
	v45 =	vsel vm1, $0x1, v5  }
0x11d: {  	vm1 =	vgt.f32 v39, v12;
	vm2 =	vmand vm2, vm3;
	vm3 =	vlt.s32 v44, v10  }
0x11e: {  	vm1 =	vmor vm1, vm2;
	vm2 =	veq.f32 v43, v13;
	v14 =	vadd.s32 v45, v14  }
0x11f: {  	vm2 =	vmand vm2, vm3;
	vm3 =	vgt.f32 v43, v13;
	v46 =	vsel vm1, $0x1, v5  }
0x120: {  	v45 =	vbroadcast v12, $0x1;
	vm1 =	vmor vm3, vm2;
	v15 =	vadd.s32 v46, v15  }
0x121: {  	vm2 =	vlt.s32 v44, v11;
	v47 =	vsel vm1, $0x1, v5;
	vm1 =	veq.f32 v43, v12  }
0x122: {  	vm3 =	vgt.f32 v43, v12;
	v46 =	vbroadcast v11, $0x1;
	vm1 =	vmand vm1, vm2  }
0x123: {  	v43 =	vbroadcast v11, $0x0;
	v14 =	vadd.s32 v47, v14;
	vm1 =	vmor vm3, vm1  }
0x124: {  	vm2 =	veq.f32 v48, v13;
	vm3 =	vlt.s32 v49, v10;
	v50 =	vsel vm1, $0x1, v5  }
0x125: {  	vm1 =	vgt.f32 v48, v13;
	vm2 =	vmand vm2, vm3;
	vm3 =	vlt.s32 v49, v11  }
0x126: {  	v49 =	vbroadcast v12, $0x2;
	v15 =	vadd.s32 v50, v15;
	vm1 =	vmor vm1, vm2  }
0x127: {  	vm2 =	veq.f32 v48, v12;
	v50 =	vbroadcast v11, $0x2;
	v53 =	vsel vm1, $0x1, v5  }
0x128: {  	vm1 =	vgt.f32 v48, v12;
	vm2 =	vmand vm2, vm3;
	vm3 =	vlt.s32 v52, v10  }
0x129: {  	vm1 =	vmor vm1, vm2;
	vm2 =	veq.f32 v51, v13;
	v14 =	vadd.s32 v53, v14  }
0x12a: {  	vm2 =	vmand vm2, vm3;
	vm3 =	vgt.f32 v51, v13;
	v54 =	vsel vm1, $0x1, v5  }
0x12b: {  	vm1 =	vmor vm3, vm2;
	vm2 =	veq.f32 v51, v12;
	vm3 =	vlt.s32 v52, v11  }
0x12c: {  	v15 =	vadd.s32 v54, v15;
	v54 =	vbroadcast v12, $0x3;
	v57 =	vsel vm1, $0x1, v5  }
0x12d: {  	vm1 =	vgt.f32 v51, v12;
	vm2 =	vmand vm2, vm3;
	vm3 =	vlt.s32 v56, v10  }
0x12e: {  	vm1 =	vmor vm1, vm2;
	vm2 =	veq.f32 v55, v13;
	v14 =	vadd.s32 v57, v14  }
0x12f: {  	vm2 =	vmand vm2, vm3;
	vm3 =	vgt.f32 v55, v13;
	v58 =	vsel vm1, $0x1, v5  }
0x130: {  	v57 =	vbroadcast v12, $0x4;
	vm1 =	vmor vm3, vm2;
	v15 =	vadd.s32 v58, v15  }
0x131: {  	vm2 =	vlt.s32 v56, v11;
	v59 =	vsel vm1, $0x1, v5;
	vm1 =	veq.f32 v55, v12  }
0x132: {  	vm3 =	vgt.f32 v55, v12;
	v58 =	vbroadcast v11, $0x4;
	vm1 =	vmand vm1, vm2  }
0x133: {  	v55 =	vbroadcast v11, $0x3;
	v14 =	vadd.s32 v59, v14;
	vm1 =	vmor vm3, vm1  }
0x134: {  	vm2 =	veq.f32 v60, v13;
	vm3 =	vlt.s32 v61, v10;
	v62 =	vsel vm1, $0x1, v5  }
0x135: {  	vm1 =	vgt.f32 v60, v13;
	vm2 =	vmand vm2, vm3;
	vm3 =	vlt.s32 v61, v11  }
0x136: {  	v61 =	vbroadcast v12, $0x5;
	v15 =	vadd.s32 v62, v15;
	vm1 =	vmor vm1, vm2  }
0x137: {  	vm2 =	veq.f32 v60, v12;
	v62 =	vbroadcast v11, $0x5;
	v23 =	vsel vm1, $0x1, v5  }
0x138: {  	vm1 =	vgt.f32 v60, v12;
	vm2 =	vmand vm2, vm3;
	vm3 =	vlt.s32 v22, v10  }
0x139: {  	vm1 =	vmor vm1, vm2;
	vm2 =	veq.f32 v63, v13;
	v14 =	vadd.s32 v23, v14  }
0x13a: {  	v23 =	vbroadcast v11, $0x6;
	vm2 =	vmand vm2, vm3;
	vm3 =	vgt.f32 v63, v13  }
0x13b: {  	v24 =	vsel vm1, $0x1, v5;
	vm1 =	vmor vm3, vm2;
	vm2 =	veq.f32 v63, v12  }
0x13c: {  	vm3 =	vlt.s32 v22, v11;
	v15 =	vadd.s32 v24, v15;
	v22 =	vbroadcast v12, $0x6  }
0x13d: {  	v27 =	vsel vm1, $0x1, v5;
	vm1 =	vgt.f32 v63, v12;
	vm2 =	vmand vm2, vm3  }
0x13e: {  	vm3 =	vlt.s32 v26, v10;
	vm1 =	vmor vm1, vm2;
	vm2 =	veq.f32 v25, v13  }
0x13f: {  	vm2 =	vmand vm2, vm3;
	vm3 =	vgt.f32 v25, v13;
	v28 =	vsel vm1, $0x1, v5  }
0x140: {  	v14 =	vadd.s32 v27, v14;
	vm1 =	vmor vm3, vm2;
	v15 =	vadd.s32 v28, v15  }
0x141: {  	vm2 =	vlt.s32 v26, v11;
	vm3 =	vgt.f32 v25, v12;
	v26 =	vbroadcast v11, $0x7  }
0x142: {  	v29 =	vsel vm1, $0x1, v5;
	vm1 =	veq.f32 v25, v12;
	v25 =	vbroadcast v12, $0x7  }
0x143: {  	v14 =	vadd.s32 v29, v14;
	vm1 =	vmand vm1, vm2;
	vm2 =	veq.f32 v30, v13  }
0x144: {  	v29 =	vbroadcast v12, $0x8;
	vm1 =	vmor vm3, vm1;
	vm3 =	vlt.s32 v31, v10  }
0x145: {  	v32 =	vsel vm1, $0x1, v5;
	vm1 =	vgt.f32 v30, v13;
	vm2 =	vmand vm2, vm3  }
0x146: {  	vm3 =	vlt.s32 v31, v11;
	v15 =	vadd.s32 v32, v15;
	vm1 =	vmor vm1, vm2  }
0x147: {  	vm2 =	veq.f32 v30, v12;
	v35 =	vsel vm1, $0x1, v5;
	vm1 =	vgt.f32 v30, v12  }
0x148: {  	vm2 =	vmand vm2, vm3;
	vm3 =	vlt.s32 v34, v10;
	v30 =	vbroadcast v11, $0x8  }
0x149: {  	vm1 =	vmor vm1, vm2;
	vm2 =	veq.f32 v33, v13;
	v14 =	vadd.s32 v35, v14  }
0x14a: {  	v35 =	vbroadcast v11, $0x9;
	vm2 =	vmand vm2, vm3;
	vm3 =	vgt.f32 v33, v13  }
0x14b: {  	v36 =	vsel vm1, $0x1, v5;
	vm1 =	vmor vm3, vm2;
	vm2 =	veq.f32 v33, v12  }
0x14c: {  	vm3 =	vlt.s32 v34, v11;
	v15 =	vadd.s32 v36, v15;
	v34 =	vbroadcast v12, $0x9  }
0x14d: {  	v39 =	vsel vm1, $0x1, v5;
	vm1 =	vgt.f32 v33, v12;
	vm2 =	vmand vm2, vm3  }
0x14e: {  	vm3 =	vlt.s32 v38, v10;
	vm1 =	vmor vm1, vm2;
	vm2 =	veq.f32 v37, v13  }
0x14f: {  	vm2 =	vmand vm2, vm3;
	vm3 =	vgt.f32 v37, v13;
	v40 =	vsel vm1, $0x1, v5  }
0x150: {  	v14 =	vadd.s32 v39, v14;
	vm1 =	vmor vm3, vm2;
	v15 =	vadd.s32 v40, v15  }
0x151: {  	vm2 =	vlt.s32 v38, v11;
	vm3 =	vgt.f32 v37, v12;
	v38 =	vbroadcast v11, $0xA  }
0x152: {  	v41 =	vsel vm1, $0x1, v5;
	vm1 =	veq.f32 v37, v12;
	v37 =	vbroadcast v12, $0xA  }
0x153: {  	v14 =	vadd.s32 v41, v14;
	vm1 =	vmand vm1, vm2;
	vm2 =	veq.f32 v42, v13  }
0x154: {  	v41 =	vbroadcast v12, $0xB;
	vm1 =	vmor vm3, vm1;
	vm3 =	vlt.s32 v43, v10  }
0x155: {  	v44 =	vsel vm1, $0x1, v5;
	vm1 =	vgt.f32 v42, v13;
	vm2 =	vmand vm2, vm3  }
0x156: {  	vm3 =	vlt.s32 v43, v11;
	v15 =	vadd.s32 v44, v15;
	vm1 =	vmor vm1, vm2  }
0x157: {  	vm2 =	veq.f32 v42, v12;
	v47 =	vsel vm1, $0x1, v5;
	vm1 =	vgt.f32 v42, v12  }
0x158: {  	vm2 =	vmand vm2, vm3;
	vm3 =	vlt.s32 v46, v10;
	v42 =	vbroadcast v11, $0xB  }
0x159: {  	vm1 =	vmor vm1, vm2;
	vm2 =	veq.f32 v45, v13;
	v14 =	vadd.s32 v47, v14  }
0x15a: {  	v47 =	vbroadcast v11, $0xC;
	vm2 =	vmand vm2, vm3;
	vm3 =	vgt.f32 v45, v13  }
0x15b: {  	v48 =	vsel vm1, $0x1, v5;
	vm1 =	vmor vm3, vm2;
	vm2 =	veq.f32 v45, v12  }
0x15c: {  	vm3 =	vlt.s32 v46, v11;
	v15 =	vadd.s32 v48, v15;
	v46 =	vbroadcast v12, $0xC  }
0x15d: {  	v51 =	vsel vm1, $0x1, v5;
	vm1 =	vgt.f32 v45, v12;
	vm2 =	vmand vm2, vm3  }
0x15e: {  	vm3 =	vlt.s32 v50, v10;
	vm1 =	vmor vm1, vm2;
	vm2 =	veq.f32 v49, v13  }
0x15f: {  	vm2 =	vmand vm2, vm3;
	vm3 =	vgt.f32 v49, v13;
	v52 =	vsel vm1, $0x1, v5  }
0x160: {  	v14 =	vadd.s32 v51, v14;
	vm1 =	vmor vm3, vm2;
	v15 =	vadd.s32 v52, v15  }
0x161: {  	vm2 =	vlt.s32 v50, v11;
	vm3 =	vgt.f32 v49, v12;
	v50 =	vbroadcast v11, $0xD  }
0x162: {  	v53 =	vsel vm1, $0x1, v5;
	vm1 =	veq.f32 v49, v12;
	v49 =	vbroadcast v12, $0xD  }
0x163: {  	v14 =	vadd.s32 v53, v14;
	vm1 =	vmand vm1, vm2;
	vm2 =	veq.f32 v54, v13  }
0x164: {  	v53 =	vbroadcast v12, $0xE;
	vm1 =	vmor vm3, vm1;
	vm3 =	vlt.s32 v55, v10  }
0x165: {  	v56 =	vsel vm1, $0x1, v5;
	vm1 =	vgt.f32 v54, v13;
	vm2 =	vmand vm2, vm3  }
0x166: {  	vm3 =	vlt.s32 v55, v11;
	v15 =	vadd.s32 v56, v15;
	vm1 =	vmor vm1, vm2  }
0x167: {  	vm2 =	veq.f32 v54, v12;
	v59 =	vsel vm1, $0x1, v5;
	vm1 =	vgt.f32 v54, v12  }
0x168: {  	vm2 =	vmand vm2, vm3;
	vm3 =	vlt.s32 v58, v10;
	v54 =	vbroadcast v11, $0xE  }
0x169: {  	vm1 =	vmor vm1, vm2;
	vm2 =	veq.f32 v57, v13;
	v14 =	vadd.s32 v59, v14  }
0x16a: {  	v59 =	vbroadcast v11, $0xF;
	vm2 =	vmand vm2, vm3;
	vm3 =	vgt.f32 v57, v13  }
0x16b: {  	v60 =	vsel vm1, $0x1, v5;
	vm1 =	vmor vm3, vm2;
	vm2 =	veq.f32 v57, v12  }
0x16c: {  	vm3 =	vlt.s32 v58, v11;
	v15 =	vadd.s32 v60, v15;
	v58 =	vbroadcast v12, $0xF  }
0x16d: {  	v63 =	vsel vm1, $0x1, v5;
	vm1 =	vgt.f32 v57, v12;
	vm2 =	vmand vm2, vm3  }
0x16e: {  	vm3 =	vlt.s32 v62, v10;
	vm1 =	vmor vm1, vm2;
	vm2 =	veq.f32 v61, v13  }
0x16f: {  	vm2 =	vmand vm2, vm3;
	vm3 =	vgt.f32 v61, v13;
	v20 =	vsel vm1, $0x1, v5  }
0x170: {  	v14 =	vadd.s32 v63, v14;
	vm1 =	vmor vm3, vm2;
	v15 =	vadd.s32 v20, v15  }
0x171: {  	vm2 =	vlt.s32 v62, v11;
	v21 =	vsel vm1, $0x1, v5;
	vm1 =	veq.f32 v61, v12  }
0x172: {  	vm3 =	vgt.f32 v61, v12;
	v14 =	vadd.s32 v21, v14;
	vm1 =	vmand vm1, vm2  }
0x173: {  	vm2 =	veq.f32 v22, v13;
	vm1 =	vmor vm3, vm1;
	vm3 =	vlt.s32 v23, v10  }
0x174: {  	v24 =	vsel vm1, $0x1, v5;
	vm1 =	vgt.f32 v22, v13;
	vm2 =	vmand vm2, vm3  }
0x175: {  	vm3 =	vlt.s32 v23, v11;
	vm1 =	vmor vm1, vm2;
	vm2 =	veq.f32 v22, v12  }
0x176: {  	v27 =	vsel vm1, $0x1, v5;
	vm1 =	vgt.f32 v22, v12;
	vm2 =	vmand vm2, vm3  }
0x177: {  	vm3 =	vlt.s32 v26, v10;
	vm1 =	vmor vm1, vm2;
	vm2 =	veq.f32 v25, v13  }
0x178: {  	v15 =	vadd.s32 v24, v15;
	vm2 =	vmand vm2, vm3;
	vm3 =	vgt.f32 v25, v13  }
0x179: {  	v14 =	vadd.s32 v27, v14;
	v28 =	vsel vm1, $0x1, v5;
	vm1 =	vmor vm3, vm2  }
0x17a: {  	vm2 =	veq.f32 v25, v12;
	vm3 =	vlt.s32 v26, v11;
	v15 =	vadd.s32 v28, v15  }
0x17b: {  	v31 =	vsel vm1, $0x1, v5;
	vm1 =	vgt.f32 v25, v12;
	vm2 =	vmand vm2, vm3  }
0x17c: {  	vm3 =	vlt.s32 v30, v10;
	vm1 =	vmor vm1, vm2;
	vm2 =	veq.f32 v29, v13  }
0x17d: {  	vm2 =	vmand vm2, vm3;
	vm3 =	vgt.f32 v29, v13;
	v32 =	vsel vm1, $0x1, v5  }
0x17e: {  	v14 =	vadd.s32 v31, v14;
	vm1 =	vmor vm3, vm2;
	v15 =	vadd.s32 v32, v15  }
0x17f: {  	vm2 =	vlt.s32 v30, v11;
	v33 =	vsel vm1, $0x1, v5;
	vm1 =	veq.f32 v29, v12  }
0x180: {  	vm3 =	vgt.f32 v29, v12;
	v14 =	vadd.s32 v33, v14;
	vm1 =	vmand vm1, vm2  }
0x181: {  	vm2 =	veq.f32 v34, v13;
	vm1 =	vmor vm3, vm1;
	vm3 =	vlt.s32 v35, v10  }
0x182: {  	v36 =	vsel vm1, $0x1, v5;
	vm1 =	vgt.f32 v34, v13;
	vm2 =	vmand vm2, vm3  }
0x183: {  	vm3 =	vlt.s32 v35, v11;
	vm1 =	vmor vm1, vm2;
	vm2 =	veq.f32 v34, v12  }
0x184: {  	v39 =	vsel vm1, $0x1, v5;
	vm1 =	vgt.f32 v34, v12;
	vm2 =	vmand vm2, vm3  }
0x185: {  	vm3 =	vlt.s32 v38, v10;
	vm1 =	vmor vm1, vm2;
	vm2 =	veq.f32 v37, v13  }
0x186: {  	v15 =	vadd.s32 v36, v15;
	vm2 =	vmand vm2, vm3;
	vm3 =	vgt.f32 v37, v13  }
0x187: {  	v14 =	vadd.s32 v39, v14;
	v40 =	vsel vm1, $0x1, v5;
	vm1 =	vmor vm3, vm2  }
0x188: {  	vm2 =	veq.f32 v37, v12;
	vm3 =	vlt.s32 v38, v11;
	v15 =	vadd.s32 v40, v15  }
0x189: {  	v43 =	vsel vm1, $0x1, v5;
	vm1 =	vgt.f32 v37, v12;
	vm2 =	vmand vm2, vm3  }
0x18a: {  	vm3 =	vlt.s32 v42, v10;
	vm1 =	vmor vm1, vm2;
	vm2 =	veq.f32 v41, v13  }
0x18b: {  	vm2 =	vmand vm2, vm3;
	vm3 =	vgt.f32 v41, v13;
	v44 =	vsel vm1, $0x1, v5  }
0x18c: {  	v14 =	vadd.s32 v43, v14;
	vm1 =	vmor vm3, vm2;
	v15 =	vadd.s32 v44, v15  }
0x18d: {  	vm2 =	vlt.s32 v42, v11;
	v45 =	vsel vm1, $0x1, v5;
	vm1 =	veq.f32 v41, v12  }
0x18e: {  	vm3 =	vgt.f32 v41, v12;
	v14 =	vadd.s32 v45, v14;
	vm1 =	vmand vm1, vm2  }
0x18f: {  	vm2 =	veq.f32 v46, v13;
	vm1 =	vmor vm3, vm1;
	vm3 =	vlt.s32 v47, v10  }
0x190: {  	v48 =	vsel vm1, $0x1, v5;
	vm1 =	vgt.f32 v46, v13;
	vm2 =	vmand vm2, vm3  }
0x191: {  	vm3 =	vlt.s32 v47, v11;
	vm1 =	vmor vm1, vm2;
	vm2 =	veq.f32 v46, v12  }
0x192: {  	v51 =	vsel vm1, $0x1, v5;
	vm1 =	vgt.f32 v46, v12;
	vm2 =	vmand vm2, vm3  }
0x193: {  	vm3 =	vlt.s32 v50, v10;
	vm1 =	vmor vm1, vm2;
	vm2 =	veq.f32 v49, v13  }
0x194: {  	v15 =	vadd.s32 v48, v15;
	vm2 =	vmand vm2, vm3;
	vm3 =	vgt.f32 v49, v13  }
0x195: {  	v14 =	vadd.s32 v51, v14;
	v52 =	vsel vm1, $0x1, v5;
	vm1 =	vmor vm3, vm2  }
0x196: {  	vm2 =	veq.f32 v49, v12;
	vm3 =	vlt.s32 v50, v11;
	v15 =	vadd.s32 v52, v15  }
0x197: {  	v55 =	vsel vm1, $0x1, v5;
	vm1 =	vgt.f32 v49, v12;
	vm2 =	vmand vm2, vm3  }
0x198: {  	vm3 =	vlt.s32 v54, v10;
	vm1 =	vmor vm1, vm2;
	vm2 =	veq.f32 v53, v13  }
0x199: {  	vm2 =	vmand vm2, vm3;
	vm3 =	vgt.f32 v53, v13;
	v56 =	vsel vm1, $0x1, v5  }
0x19a: {  	v14 =	vadd.s32 v55, v14;
	vm1 =	vmor vm3, vm2;
	v15 =	vadd.s32 v56, v15  }
0x19b: {  	vm2 =	vlt.s32 v54, v11;
	v57 =	vsel vm1, $0x1, v5;
	vm1 =	veq.f32 v53, v12  }
0x19c: {  	vm3 =	vgt.f32 v53, v12;
	v14 =	vadd.s32 v57, v14;
	vm1 =	vmand vm1, vm2  }
0x19d: {  	vm2 =	veq.f32 v58, v13;
	vm1 =	vmor vm3, vm1;
	vm3 =	vlt.s32 v59, v10  }
0x19e: {  	v60 =	vsel vm1, $0x1, v5;
	vm1 =	vgt.f32 v58, v13;
	vm2 =	vmand vm2, vm3  }
0x19f: {  	vm3 =	vlt.s32 v59, v11;
	vm1 =	vmor vm1, vm2;
	vm2 =	veq.f32 v58, v12  }
0x1a0: {  	v61 =	vadd.s32 v60, v15;
	vm2 =	vmand vm2, vm3;
	vm3 =	vgt.f32 v58, v12  }
0x1a1: {  	v62 =	vsel vm1, $0x1, v5;
	vm1 =	vmor vm3, vm2;
	vm2 =	vgt.s32 v9, v0  }
0x1a2: {  	v12 =	vadd.s32 v62, v14;
	v63 =	vsel vm1, $0x1, v5;
	vm1 =	vgt.s32 v9, v6  }
0x1a3: {  	v9 =	vadd.s32 v63, v61;
	_ =	sdelay $0x1  }
0x1a4: {  	[tilespmem:$0x18A80] =	vst v5;
	s20 =	spop (v2sf)  }
0x1a5: {  	[tilespmem:$0x18A90] =	vst v5;
	s19 =	sxor.u32 $0x80000000, s20  }
0x1a6: {  	p0 =	sgt.s32 s19, $0x1D;
	[tilespmem:v12+s12+$0x0] =	vst.idx.msk vm2, v10  }
.Ltmp13:
0x1a7: {  	[tilespmem:v9+s12+$0x0] =	vst.idx.msk vm1, v11;
	(pc) =	sbr.rel @p0 .LBB2_17-.Ltmp13, $4  }
0x1a8: {  	[tilespmem:s14], [sflag:$0x1] =	stream.indirect.gather [hbm4b:s1+s13], $0x80, s12, s13, $0xb8;
	[tilespmem:$0x19B00] =	vst v63  }
0x1a9: {  	_ =	swait.ge [sflag:s11], $0x1000  }
0x1aa: {  	[sflag:s11] =	ssyncset.done $0x0  }
0x1ab: {  	[sflag:s11] =	ssyncadd.s32 $0xFFFFF000  }
0x1ac: {  	s19 =	sshll.u32 s20, $0x9  }
0x1ad: {  	s19 =	sshra.s32 s19, $0x2  }
0x1ae: {  	s19 =	sadd.s32 $0x18B40, s19  }
0x1af: {  	s31 =	ssub.s32 $0x8000001E, s20;
	[tilespmem:s19+$0xFFFFFFC0] =	vst v1  }
0x1b0: {  	p0 =	sne.s32 s31, $0x1;
	[tilespmem:s19+$0x30] =	vst v1  }
.Ltmp14:
0x1b1: {  	[tilespmem:s19+$0x20] =	vst v1;
	(pc) =	sbr.rel @!p0 .LBB2_16-.Ltmp14, $4  }
0x1b2: {  	[tilespmem:s19+$0x10] =	vst v1  }
0x1b3: {  	[tilespmem:s19+$0x0] =	vst v1  }
0x1b4: {  	[tilespmem:s19+$0xFFFFFFF0] =	vst v1  }
0x1b5: {  	s20 =	sadd.s32 $0xFFFFFFFF, s31;
	[tilespmem:s19+$0xFFFFFFE0] =	vst v1  }
.LBB2_15:
0x1b6: {  	p0 =	sne.s32 s20, $0x1;
	s20 =	sadd.s32 $0xFFFFFFFF, s20;
	[tilespmem:s19+$0xFFFFFFD0] =	vst v1;
	s19 =	sadd.s32 $0x80, s19  }
0x1b7: {  	[tilespmem:s19+$0xFFFFFFC0] =	vst v1  }
0x1b8: {  	[tilespmem:s19+$0x30] =	vst v1  }
.Ltmp15:
0x1b9: {  	[tilespmem:s19+$0x20] =	vst v1;
	(pc) =	sbr.rel @p0 .LBB2_15-.Ltmp15, $4  }
0x1ba: {  	[tilespmem:s19+$0x10] =	vst v1  }
0x1bb: {  	[tilespmem:s19+$0x0] =	vst v1  }
0x1bc: {  	[tilespmem:s19+$0xFFFFFFF0] =	vst v1  }
0x1bd: {  	[tilespmem:s19+$0xFFFFFFE0] =	vst v1  }
.Ltmp16:
0x1be: {  	_ = 	snop;
	(pc) =	sbr.rel .LBB2_16-.Ltmp16, $1  }
0x1bf: {  	_ =	sdelay $0x3  }
.LBB2_19:
0x1c0: {  	_ =	sfence.sel $0x180000  }
0x1c1: {  	[bflag:$0x0] =	sbarrier.arrive $0xFFFF  }
0x1c2: {  	p0 =	sne.s32 s6, $0x0;
	_ =	strace $0x90000047  }
0x1c3: {  	s0 =	sadd.s32 @!p0 $0x100000, s0;
	[bflag:$0x2] =	sbarrier.arrive $0xFFFF  }
0x1c4: {  	[sflag:s0] =	ssyncadd.tile.s32 @!p0 $0x1;
	_ =	shalt  }
.Lfunc_end2:
_tile_overlayer_lowered:
.L_overlay_start_2:
0x1c5: {  	(tag) =	ssettag $0x2  }
0x1c6: {  	s0 =	rddreg [dreg:$0x0];
	s2 =	stileid.u32  }
0x1c7: {  	s1 =	rddreg [dreg:$0x1];
	p0 =	sne.s32 s2, $0x0  }
0x1c8: {  	s3 =	rddreg [dreg:$0x2];
	[bflag:$0x3] =	sbarrier.arrive $0xFFFF;
	s2 =	simm.s32 @!p0 $0x1C02  }
0x1c9: {  	[timem:s3], [sflag:s2] =	dma.local @!p0 [hbm:s0], s1  }
0x1ca: {  	s0 =	simm.s32 @!p0 $0x2  }
0x1cb: {  	_ =	swait.ge @!p0 [sflag:s0], s1  }
0x1cc: {  	s1 =	ssub.s32 @!p0 $0x0, s1;
	[sflag:s0] =	ssyncset.done @!p0 $0x0  }
0x1cd: {  	[sflag:s0] =	ssyncadd.s32 @!p0 s1  }
0x1ce: {  	[bflag:$0x3] =	sbarrier.arrive $0xFFFF  }
0x1cf: {  	_ =	shalt  }

</sc_bundles>
